<compile_context>
chip_gen: v7x
topology: tpu7x:2x2x1
jax: 0.10.2.dev20260603
libtpu: 0.0.44.dev20260713+nightly
codegen_flags: <defaults>
</compile_context>

<pallas_src>
import functools

import jax
import jax.numpy as jnp
from jax import lax
from jax.experimental import pallas as pl
from jax.experimental.pallas import tpu as pltpu
from jax.experimental.pallas import tpu_sc as plsc

N0, N1, N2 = 10000, 5000, 1000
D = 128
NC, NS = 2, 16
NW = NC * NS
CHUNK = 128


def _seg_body(npad, nchunks, nodes, src, dst, zeros, sum_out, cnt_out,
              idx_all, rows, cntl, acc_sh, sem_z, sem_g, sem_s):
    c = lax.axis_index("c")
    s = lax.axis_index("s")
    wid = s * NC + c
    rpt = npad // NS
    r0 = s * rpt
    nmax = (nchunks + NW - 1) // NW
    n_mine = (nchunks - wid + NW - 1) // NW

    zdesc = pltpu.async_copy(zeros.at[pl.ds(r0, rpt)],
                             acc_sh.at[pl.ds(r0, rpt)], sem_z)
    iota = lax.iota(jnp.int32, 16)
    last_id = (n_mine - 1) * NW + wid
    stage = []
    for p in range((nmax + 15) // 16):
        ids = jnp.minimum((16 * p + iota) * NW + wid, last_id)
        stage.append(pltpu.async_copy(
            src.at[ids], idx_all.at[0, pl.ds(p * 16, 16)], sem_z))
        stage.append(pltpu.async_copy(
            dst.at[ids], idx_all.at[1, pl.ds(p * 16, 16)], sem_z))

    def zbody(i, _):
        cntl[pl.ds(i * 16, 16)] = jnp.zeros((16,), jnp.float32)
        return 0
    lax.fori_loop(0, npad // 16, zbody, 0)
    for d in stage:
        d.wait()
    zdesc.wait()
    plsc.subcore_barrier()

    ones = jnp.full((16,), 1.0, jnp.float32)

    def gather_start(i, b):
        pltpu.async_copy(nodes.at[idx_all.at[0, i]], rows.at[b], sem_g.at[b])

    NB = 3
    gather_start(0, 0)

    @pl.when(n_mine > 1)
    def _():
        gather_start(1, 1)

    def chunk_body(i, _):
        b = lax.rem(i, NB)

        @pl.when(i >= 1)
        def _():
            pb = lax.rem(i - 1, NB)
            pltpu.make_async_copy(
                rows.at[pb], acc_sh.at[idx_all.at[1, i - 1]],
                sem_s.at[pb]).wait()

        @pl.when(i + 2 < n_mine)
        def _():
            gather_start(i + 2, lax.rem(i + 2, NB))

        for j in range(CHUNK // 16):
            ii = idx_all[1, i, pl.ds(j * 16, 16)]
            plsc.addupdate_scatter(cntl, [ii], ones)
        pltpu.make_async_copy(nodes.at[idx_all.at[0, i]], rows.at[b],
                              sem_g.at[b]).wait()
        pltpu.async_copy(rows.at[b], acc_sh.at[idx_all.at[1, i]],
                         sem_s.at[b], add=True)
        return 0
    lax.fori_loop(0, n_mine, chunk_body, 0)
    lastb = lax.rem(n_mine - 1, NB)
    pltpu.make_async_copy(rows.at[lastb], acc_sh.at[idx_all.at[1, n_mine - 1]],
                          sem_s.at[lastb]).wait()
    plsc.subcore_barrier()

    pltpu.sync_copy(acc_sh.at[pl.ds(r0, rpt)], sum_out.at[c, pl.ds(r0, rpt)])
    pltpu.sync_copy(cntl, cnt_out.at[c, s])


@functools.lru_cache(maxsize=None)
def _make_seg(n_src, n_edges, npad):
    assert n_edges % CHUNK == 0
    nchunks = n_edges // CHUNK
    nmax = (nchunks + NW - 1) // NW
    mesh = plsc.VectorSubcoreMesh(core_axis_name="c", subcore_axis_name="s",
                                  num_cores=NC, num_subcores=NS)
    return pl.kernel(
        functools.partial(_seg_body, npad, nchunks),
        out_type=(jax.ShapeDtypeStruct((NC, npad, D), jnp.float32),
                  jax.ShapeDtypeStruct((NC, NS, npad), jnp.float32)),
        mesh=mesh,
        compiler_params=pltpu.CompilerParams(needs_layout_passes=False),
        scratch_types=[
            pltpu.VMEM((2, ((nmax + 15) // 16) * 16, CHUNK), jnp.int32),
            pltpu.VMEM((3, CHUNK, D), jnp.float32),
            pltpu.VMEM((npad,), jnp.float32),
            pltpu.VMEM_SHARED((npad, D), jnp.float32),
            pltpu.SemaphoreType.DMA,
            pltpu.SemaphoreType.DMA((3,)),
            pltpu.SemaphoreType.DMA((3,)),
        ],
    )


def _dense_body(n_out, softmax, sum_ref, cnt_ref, xt_ref, wl_ref, wr_ref,
                b_ref, out_ref):
    ssum = sum_ref[0] + sum_ref[1]
    cnt = lax.dot_general(cnt_ref[...], jnp.ones((NW, 1), jnp.float32),
                          (((0,), (0,)), ((), ())),
                          preferred_element_type=jnp.float32)
    agg = ssum[:n_out] / jnp.maximum(cnt[:n_out], 1.0)
    z = (lax.dot_general(agg, wl_ref[...], (((1,), (1,)), ((), ())),
                         preferred_element_type=jnp.float32)
         + lax.dot_general(xt_ref[...], wr_ref[...], (((1,), (1,)), ((), ())),
                           preferred_element_type=jnp.float32)
         + b_ref[...])
    if softmax:
        z = z - jnp.max(z, axis=1, keepdims=True)
        out_ref[...] = z - jnp.log(jnp.sum(jnp.exp(z), axis=1, keepdims=True))
    else:
        out_ref[...] = jnp.maximum(z, 0.0)


def _dense(n_out, softmax, sum_p, cnt_p, x_full, wl, wr, b):
    body = functools.partial(_dense_body, n_out, softmax)
    npad = sum_p.shape[1]
    whole = lambda a: pl.BlockSpec(a.shape, lambda i: (0,) * a.ndim)
    cnt_2d = cnt_p.reshape(NW, npad)
    b_2d = b.reshape(1, D)
    return pl.pallas_call(
        body, out_shape=jax.ShapeDtypeStruct((n_out, D), jnp.float32),
        grid=(1,),
        in_specs=[whole(sum_p), whole(cnt_2d),
                  pl.BlockSpec((n_out, D), lambda i: (0, 0)),
                  whole(wl), whole(wr), whole(b_2d)],
        out_specs=pl.BlockSpec((n_out, D), lambda i: (0, 0)),
    )(sum_p, cnt_2d, x_full, wl, wr, b_2d)


def kernel(x, src1, dst1, src2, dst2, W1l, W1r, b1, W2l, W2r, b2):
    x = x.astype(jnp.float32)
    src1 = src1.astype(jnp.int32)
    dst1 = dst1.astype(jnp.int32)
    src2 = src2.astype(jnp.int32)
    dst2 = dst2.astype(jnp.int32)
    e1, e2 = src1.shape[0], src2.shape[0]
    npad1 = ((N1 + NS * 8 - 1) // (NS * 8)) * NS * 8
    npad2 = ((N2 + NS * 8 - 1) // (NS * 8)) * NS * 8
    zeros = jnp.zeros((npad1, D), jnp.float32)

    src1_2d = src1.reshape(-1, CHUNK)
    dst1_2d = dst1.reshape(-1, CHUNK)
    src2_2d = src2.reshape(-1, CHUNK)
    dst2_2d = dst2.reshape(-1, CHUNK)

    sum1, cnt1 = _make_seg(N0, e1, npad1)(x, src1_2d, dst1_2d, zeros)
    h = _dense(N1, False, sum1, cnt1, x, W1l, W1r, b1)
    sum2, cnt2 = _make_seg(N1, e2, npad2)(h, src2_2d, dst2_2d, zeros[:npad2])
    out = _dense(N2, True, sum2, cnt2, h, W2l, W2r, b2)
    return out

# --- scband reference (transcript-rebuilt; emitter-appended) ---
"""Pipeline reference for scband-sage-27264452395336 (READ-ONLY COPY).

The authoritative reference and input builder live on the scoring server;
editing this copy changes nothing except your own understanding.
"""

import jax, jax.numpy as jnp
import numpy as np

N0, N1, N2 = 10000, 5000, 1000
DIN, DH, DOUT = 128, 128, 128
E1, E2 = 320000, 80000

def setup_inputs(seed: int = 0) -> dict:
    key = jax.random.key(seed)
    ks = jax.random.split(key, 12)
    x = jax.random.normal(ks[0], (N0, DIN), dtype=jnp.float32)
    src1 = jax.random.randint(ks[1], (E1,), 0, N0, dtype=jnp.int64 if jax.config.jax_enable_x64 else jnp.int32)
    dst1 = jax.random.randint(ks[2], (E1,), 0, N1, dtype=jnp.int64 if jax.config.jax_enable_x64 else jnp.int32)
    src2 = jax.random.randint(ks[3], (E2,), 0, N1, dtype=jnp.int64 if jax.config.jax_enable_x64 else jnp.int32)
    dst2 = jax.random.randint(ks[4], (E2,), 0, N2, dtype=jnp.int64 if jax.config.jax_enable_x64 else jnp.int32)
    s1 = 1.0 / np.sqrt(DIN)
    s2 = 1.0 / np.sqrt(DH)
    W1l = jax.random.uniform(ks[5], (DH, DIN), minval=-s1, maxval=s1, dtype=jnp.float32)
    W1r = jax.random.uniform(ks[6], (DH, DIN), minval=-s1, maxval=s1, dtype=jnp.float32)
    b1 = jax.random.uniform(ks[7], (DH,), minval=-s1, maxval=s1, dtype=jnp.float32)
    W2l = jax.random.uniform(ks[8], (DOUT, DH), minval=-s2, maxval=s2, dtype=jnp.float32)
    W2r = jax.random.uniform(ks[9], (DOUT, DH), minval=-s2, maxval=s2, dtype=jnp.float32)
    b2 = jax.random.uniform(ks[10], (DOUT,), minval=-s2, maxval=s2, dtype=jnp.float32)
    return {"x": x, "src1": src1, "dst1": dst1, "src2": src2, "dst2": dst2,
            "W1l": W1l, "W1r": W1r, "b1": b1, "W2l": W2l, "W2r": W2r, "b2": b2}

def _sage_conv(x_src, x_tgt, src, dst, Wl, Wr, b, n_tgt):
    # PyG SAGEConv (mean aggregation): lin_l(mean_j x_src[j]) + lin_r(x_tgt)
    msgs = jnp.take(x_src, src, axis=0)
    summed = jax.ops.segment_sum(msgs, dst, num_segments=n_tgt)
    cnt = jax.ops.segment_sum(jnp.ones((src.shape[0], 1), dtype=x_src.dtype), dst, num_segments=n_tgt)
    agg = summed / jnp.clip(cnt, 1.0, None)
    return agg @ Wl.T + b + x_tgt @ Wr.T

def reference(x, src1, dst1, src2, dst2, W1l, W1r, b1, W2l, W2r, b2):
    # layer 1: bipartite (x, x[:N1])
    h = _sage_conv(x, x[:N1], src1, dst1, W1l, W1r, b1, N1)
    h = jax.nn.relu(h)  # dropout p=0.0 -> identity
    # layer 2: bipartite (h, h[:N2])
    out = _sage_conv(h, h[:N2], src2, dst2, W2l, W2r, b2, N2)
    return jax.nn.log_softmax(out, axis=-1)

if __name__ == "__main__":
    import jax
    _d = setup_inputs()
    print(jax.jit(kernel)(*tuple(_d.values())))

</pallas_src>

<mosaic_0001>
#map = affine_map<(d0, d1) -> (0, 0)>
#map1 = affine_map<(d0, d1) -> (0, 0, 0)>
module attributes {stable_mosaic.version = 14 : i64} {
  func.func @_seg_body(%arg0: i32, %arg1: i32, %arg2: memref<10000x128xf32, #tpu.memory_space<hbm>>, %arg3: memref<2500x128xi32, #tpu.memory_space<hbm>>, %arg4: memref<2500x128xi32, #tpu.memory_space<hbm>>, %arg5: memref<5120x128xf32, #tpu.memory_space<hbm>>, %arg6: memref<2x5120x128xf32, #tpu.memory_space<hbm>>, %arg7: memref<2x16x5120xf32, #tpu.memory_space<hbm>>, %arg8: memref<2x80x128xi32, #tpu.memory_space<vmem>>, %arg9: memref<3x128x128xf32, #tpu.memory_space<vmem>>, %arg10: memref<5120xf32, #tpu.memory_space<vmem>>, %arg11: memref<5120x128xf32, #tpu.memory_space<vmem_shared>>, %arg12: memref<!tpu.dma_semaphore, #tpu.memory_space<semaphore_mem>>, %arg13: memref<3x!tpu.dma_semaphore, #tpu.memory_space<semaphore_mem>>, %arg14: memref<3x!tpu.dma_semaphore, #tpu.memory_space<semaphore_mem>>) attributes {dimension_semantics = [#tpu.dimension_semantics<core_parallel>, #tpu.dimension_semantics<subcore_parallel>], iteration_bounds = array<i64: 2, 16>, scalar_prefetch = 0 : i64, scratch_operands = 7 : i64, tpu.core_type = #tpu.core_type<sc_vector_subcore>, window_params = [{transform_indices = #map}, {transform_indices = #map}, {transform_indices = #map}, {transform_indices = #map}, {transform_indices = #map1}, {transform_indices = #map1}]} {
    %mul3A = arith.constant 2 : i32
    %mul3A_0 = arith.muli %arg1, %mul3A : i32
    %add3A = arith.addi %mul3A_0, %arg0 : i32
    %mul3A_1 = arith.constant 320 : i32
    %mul3A_2 = arith.muli %arg1, %mul3A_1 : i32
    %sub3A = arith.constant 2500 : i32
    %sub3A_3 = arith.subi %sub3A, %add3A : i32
    %add3A_4 = arith.constant 32 : i32
    %add3A_5 = arith.addi %sub3A_3, %add3A_4 : i32
    %sub3A_6 = arith.constant 1 : i32
    %sub3A_7 = arith.subi %add3A_5, %sub3A_6 : i32
    %jit3A = arith.constant 32 : i32
    %div3A = arith.divsi %sub3A_7, %jit3A : i32
    %sign3A = arith.constant 0 : i32
    %sign3A_8 = arith.cmpi sgt, %sub3A_7, %sign3A : i32
    %sign3A_9 = arith.extui %sign3A_8 : i1 to i32
    %sign3A_10 = arith.constant 0 : i32
    %sign3A_11 = arith.cmpi slt, %sub3A_7, %sign3A_10 : i32
    %sign3A_12 = arith.extui %sign3A_11 : i1 to i32
    %sign3A_13 = arith.subi %sign3A_9, %sign3A_12 : i32
    %sign3A_14 = arith.constant 0 : i32
    %sign3A_15 = arith.cmpi sgt, %jit3A, %sign3A_14 : i32
    %sign3A_16 = arith.extui %sign3A_15 : i1 to i32
    %sign3A_17 = arith.constant 0 : i32
    %sign3A_18 = arith.cmpi slt, %jit3A, %sign3A_17 : i32
    %sign3A_19 = arith.extui %sign3A_18 : i1 to i32
    %sign3A_20 = arith.subi %sign3A_16, %sign3A_19 : i32
    %ne3A = arith.cmpi ne, %sign3A_13, %sign3A_20 : i32
    %rem3A = arith.remsi %sub3A_7, %jit3A : i32
    %ne3A_21 = arith.constant 0 : i32
    %ne3A_22 = arith.cmpi ne, %rem3A, %ne3A_21 : i32
    %and3A = arith.andi %ne3A, %ne3A_22 : i1
    %sub3A_23 = arith.constant 1 : i32
    %sub3A_24 = arith.subi %div3A, %sub3A_23 : i32
    %select_n3A = arith.select %and3A, %sub3A_24, %div3A : i32
    %dma_start3A = arith.constant 0 : i32
    %dma_start3A_25 = tpu.memref_slice %arg11[%mul3A_2, %dma_start3A] : memref<5120x128xf32, #tpu.memory_space<vmem_shared>> -> memref<320x128xf32, #tpu.memory_space<vmem_shared>>
    %dma_start3A_26 = arith.constant 0 : i32
    %dma_start3A_27 = tpu.memref_slice %arg5[%mul3A_2, %dma_start3A_26] : memref<5120x128xf32, #tpu.memory_space<hbm>> -> memref<320x128xf32, #tpu.memory_space<hbm>>
    tpu.enqueue_dma source(%dma_start3A_27 : memref<320x128xf32, #tpu.memory_space<hbm>>) target(%dma_start3A_25 : memref<320x128xf32, #tpu.memory_space<vmem_shared>>) target_semaphore(%arg12 : memref<!tpu.dma_semaphore, #tpu.memory_space<semaphore_mem>>)
    %iota3A = tpu.iota {dimensions = array<i32: 0>} : vector<16xi32>
    %sub3A_28 = arith.constant 1 : i32
    %sub3A_29 = arith.subi %select_n3A, %sub3A_28 : i32
    %mul3A_30 = arith.constant 32 : i32
    %mul3A_31 = arith.muli %sub3A_29, %mul3A_30 : i32
    %add3A_32 = arith.addi %mul3A_31, %add3A : i32
    %add3A_33 = arith.constant 0 : i32
    %add3A_34 = vector.broadcast %add3A_33 : i32 to vector<16xi32>
    %add3A_35 = arith.addi %add3A_34, %iota3A : vector<16xi32>
    %mul3A_36 = arith.constant 32 : i32
    %mul3A_37 = vector.broadcast %mul3A_36 : i32 to vector<16xi32>
    %mul3A_38 = arith.muli %add3A_35, %mul3A_37 : vector<16xi32>
    %add3A_39 = vector.broadcast %add3A : i32 to vector<16xi32>
    %add3A_40 = arith.addi %mul3A_38, %add3A_39 : vector<16xi32>
    %min3A = vector.broadcast %add3A_32 : i32 to vector<16xi32>
    %min3A_41 = arith.minsi %add3A_40, %min3A : vector<16xi32>
    %dma_start3A_42 = arith.constant 0 : i32
    %dma_start3A_43 = arith.constant 0 : i32
    %dma_start3A_44 = arith.constant 0 : i32
    %dma_start3A_45 = tpu.memref_slice %arg8[%dma_start3A_42, %dma_start3A_43, %dma_start3A_44] : memref<2x80x128xi32, #tpu.memory_space<vmem>> -> memref<1x16x128xi32, #tpu.memory_space<vmem>>
    %dma_start3A_46 = tpu.memref_squeeze %dma_start3A_45 : memref<1x16x128xi32, #tpu.memory_space<vmem>> -> memref<16x128xi32, #tpu.memory_space<vmem>>
    %dma_start3A_47 = arith.constant 0 : i32
    %dma_start3A_48 = arith.constant 0 : i32
    %dma_start3A_49 = tpu.memref_slice %arg3[%dma_start3A_47, %dma_start3A_48] : memref<2500x128xi32, #tpu.memory_space<hbm>> -> memref<2500x128xi32, #tpu.memory_space<hbm>>
    tpu.enqueue_indirect_dma source(%dma_start3A_49 : memref<2500x128xi32, #tpu.memory_space<hbm>>) target(%dma_start3A_46 : memref<16x128xi32, #tpu.memory_space<vmem>>) offsets(%min3A_41 : vector<16xi32>) semaphore(%arg12 : memref<!tpu.dma_semaphore, #tpu.memory_space<semaphore_mem>>)
    %dma_start3A_50 = arith.constant 1 : i32
    %dma_start3A_51 = arith.constant 0 : i32
    %dma_start3A_52 = arith.constant 0 : i32
    %dma_start3A_53 = tpu.memref_slice %arg8[%dma_start3A_50, %dma_start3A_51, %dma_start3A_52] : memref<2x80x128xi32, #tpu.memory_space<vmem>> -> memref<1x16x128xi32, #tpu.memory_space<vmem>>
    %dma_start3A_54 = tpu.memref_squeeze %dma_start3A_53 : memref<1x16x128xi32, #tpu.memory_space<vmem>> -> memref<16x128xi32, #tpu.memory_space<vmem>>
    %dma_start3A_55 = arith.constant 0 : i32
    %dma_start3A_56 = arith.constant 0 : i32
    %dma_start3A_57 = tpu.memref_slice %arg4[%dma_start3A_55, %dma_start3A_56] : memref<2500x128xi32, #tpu.memory_space<hbm>> -> memref<2500x128xi32, #tpu.memory_space<hbm>>
    tpu.enqueue_indirect_dma source(%dma_start3A_57 : memref<2500x128xi32, #tpu.memory_space<hbm>>) target(%dma_start3A_54 : memref<16x128xi32, #tpu.memory_space<vmem>>) offsets(%min3A_41 : vector<16xi32>) semaphore(%arg12 : memref<!tpu.dma_semaphore, #tpu.memory_space<semaphore_mem>>)
    %add3A_58 = arith.constant 16 : i32
    %add3A_59 = vector.broadcast %add3A_58 : i32 to vector<16xi32>
    %add3A_60 = arith.addi %add3A_59, %iota3A : vector<16xi32>
    %mul3A_61 = arith.constant 32 : i32
    %mul3A_62 = vector.broadcast %mul3A_61 : i32 to vector<16xi32>
    %mul3A_63 = arith.muli %add3A_60, %mul3A_62 : vector<16xi32>
    %add3A_64 = vector.broadcast %add3A : i32 to vector<16xi32>
    %add3A_65 = arith.addi %mul3A_63, %add3A_64 : vector<16xi32>
    %min3A_66 = vector.broadcast %add3A_32 : i32 to vector<16xi32>
    %min3A_67 = arith.minsi %add3A_65, %min3A_66 : vector<16xi32>
    %dma_start3A_68 = arith.constant 0 : i32
    %dma_start3A_69 = arith.constant 16 : i32
    %dma_start3A_70 = arith.constant 0 : i32
    %dma_start3A_71 = tpu.memref_slice %arg8[%dma_start3A_68, %dma_start3A_69, %dma_start3A_70] : memref<2x80x128xi32, #tpu.memory_space<vmem>> -> memref<1x16x128xi32, #tpu.memory_space<vmem>>
    %dma_start3A_72 = tpu.memref_squeeze %dma_start3A_71 : memref<1x16x128xi32, #tpu.memory_space<vmem>> -> memref<16x128xi32, #tpu.memory_space<vmem>>
    %dma_start3A_73 = arith.constant 0 : i32
    %dma_start3A_74 = arith.constant 0 : i32
    %dma_start3A_75 = tpu.memref_slice %arg3[%dma_start3A_73, %dma_start3A_74] : memref<2500x128xi32, #tpu.memory_space<hbm>> -> memref<2500x128xi32, #tpu.memory_space<hbm>>
    tpu.enqueue_indirect_dma source(%dma_start3A_75 : memref<2500x128xi32, #tpu.memory_space<hbm>>) target(%dma_start3A_72 : memref<16x128xi32, #tpu.memory_space<vmem>>) offsets(%min3A_67 : vector<16xi32>) semaphore(%arg12 : memref<!tpu.dma_semaphore, #tpu.memory_space<semaphore_mem>>)
    %dma_start3A_76 = arith.constant 1 : i32
    %dma_start3A_77 = arith.constant 16 : i32
    %dma_start3A_78 = arith.constant 0 : i32
    %dma_start3A_79 = tpu.memref_slice %arg8[%dma_start3A_76, %dma_start3A_77, %dma_start3A_78] : memref<2x80x128xi32, #tpu.memory_space<vmem>> -> memref<1x16x128xi32, #tpu.memory_space<vmem>>
    %dma_start3A_80 = tpu.memref_squeeze %dma_start3A_79 : memref<1x16x128xi32, #tpu.memory_space<vmem>> -> memref<16x128xi32, #tpu.memory_space<vmem>>
    %dma_start3A_81 = arith.constant 0 : i32
    %dma_start3A_82 = arith.constant 0 : i32
    %dma_start3A_83 = tpu.memref_slice %arg4[%dma_start3A_81, %dma_start3A_82] : memref<2500x128xi32, #tpu.memory_space<hbm>> -> memref<2500x128xi32, #tpu.memory_space<hbm>>
    tpu.enqueue_indirect_dma source(%dma_start3A_83 : memref<2500x128xi32, #tpu.memory_space<hbm>>) target(%dma_start3A_80 : memref<16x128xi32, #tpu.memory_space<vmem>>) offsets(%min3A_67 : vector<16xi32>) semaphore(%arg12 : memref<!tpu.dma_semaphore, #tpu.memory_space<semaphore_mem>>)
    %add3A_84 = arith.constant 32 : i32
    %add3A_85 = vector.broadcast %add3A_84 : i32 to vector<16xi32>
    %add3A_86 = arith.addi %add3A_85, %iota3A : vector<16xi32>
    %mul3A_87 = arith.constant 32 : i32
    %mul3A_88 = vector.broadcast %mul3A_87 : i32 to vector<16xi32>
    %mul3A_89 = arith.muli %add3A_86, %mul3A_88 : vector<16xi32>
    %add3A_90 = vector.broadcast %add3A : i32 to vector<16xi32>
    %add3A_91 = arith.addi %mul3A_89, %add3A_90 : vector<16xi32>
    %min3A_92 = vector.broadcast %add3A_32 : i32 to vector<16xi32>
    %min3A_93 = arith.minsi %add3A_91, %min3A_92 : vector<16xi32>
    %dma_start3A_94 = arith.constant 0 : i32
    %dma_start3A_95 = arith.constant 32 : i32
    %dma_start3A_96 = arith.constant 0 : i32
    %dma_start3A_97 = tpu.memref_slice %arg8[%dma_start3A_94, %dma_start3A_95, %dma_start3A_96] : memref<2x80x128xi32, #tpu.memory_space<vmem>> -> memref<1x16x128xi32, #tpu.memory_space<vmem>>
    %dma_start3A_98 = tpu.memref_squeeze %dma_start3A_97 : memref<1x16x128xi32, #tpu.memory_space<vmem>> -> memref<16x128xi32, #tpu.memory_space<vmem>>
    %dma_start3A_99 = arith.constant 0 : i32
    %dma_start3A_100 = arith.constant 0 : i32
    %dma_start3A_101 = tpu.memref_slice %arg3[%dma_start3A_99, %dma_start3A_100] : memref<2500x128xi32, #tpu.memory_space<hbm>> -> memref<2500x128xi32, #tpu.memory_space<hbm>>
    tpu.enqueue_indirect_dma source(%dma_start3A_101 : memref<2500x128xi32, #tpu.memory_space<hbm>>) target(%dma_start3A_98 : memref<16x128xi32, #tpu.memory_space<vmem>>) offsets(%min3A_93 : vector<16xi32>) semaphore(%arg12 : memref<!tpu.dma_semaphore, #tpu.memory_space<semaphore_mem>>)
    %dma_start3A_102 = arith.constant 1 : i32
    %dma_start3A_103 = arith.constant 32 : i32
    %dma_start3A_104 = arith.constant 0 : i32
    %dma_start3A_105 = tpu.memref_slice %arg8[%dma_start3A_102, %dma_start3A_103, %dma_start3A_104] : memref<2x80x128xi32, #tpu.memory_space<vmem>> -> memref<1x16x128xi32, #tpu.memory_space<vmem>>
    %dma_start3A_106 = tpu.memref_squeeze %dma_start3A_105 : memref<1x16x128xi32, #tpu.memory_space<vmem>> -> memref<16x128xi32, #tpu.memory_space<vmem>>
    %dma_start3A_107 = arith.constant 0 : i32
    %dma_start3A_108 = arith.constant 0 : i32
    %dma_start3A_109 = tpu.memref_slice %arg4[%dma_start3A_107, %dma_start3A_108] : memref<2500x128xi32, #tpu.memory_space<hbm>> -> memref<2500x128xi32, #tpu.memory_space<hbm>>
    tpu.enqueue_indirect_dma source(%dma_start3A_109 : memref<2500x128xi32, #tpu.memory_space<hbm>>) target(%dma_start3A_106 : memref<16x128xi32, #tpu.memory_space<vmem>>) offsets(%min3A_93 : vector<16xi32>) semaphore(%arg12 : memref<!tpu.dma_semaphore, #tpu.memory_space<semaphore_mem>>)
    %add3A_110 = arith.constant 48 : i32
    %add3A_111 = vector.broadcast %add3A_110 : i32 to vector<16xi32>
    %add3A_112 = arith.addi %add3A_111, %iota3A : vector<16xi32>
    %mul3A_113 = arith.constant 32 : i32
    %mul3A_114 = vector.broadcast %mul3A_113 : i32 to vector<16xi32>
    %mul3A_115 = arith.muli %add3A_112, %mul3A_114 : vector<16xi32>
    %add3A_116 = vector.broadcast %add3A : i32 to vector<16xi32>
    %add3A_117 = arith.addi %mul3A_115, %add3A_116 : vector<16xi32>
    %min3A_118 = vector.broadcast %add3A_32 : i32 to vector<16xi32>
    %min3A_119 = arith.minsi %add3A_117, %min3A_118 : vector<16xi32>
    %dma_start3A_120 = arith.constant 0 : i32
    %dma_start3A_121 = arith.constant 48 : i32
    %dma_start3A_122 = arith.constant 0 : i32
    %dma_start3A_123 = tpu.memref_slice %arg8[%dma_start3A_120, %dma_start3A_121, %dma_start3A_122] : memref<2x80x128xi32, #tpu.memory_space<vmem>> -> memref<1x16x128xi32, #tpu.memory_space<vmem>>
    %dma_start3A_124 = tpu.memref_squeeze %dma_start3A_123 : memref<1x16x128xi32, #tpu.memory_space<vmem>> -> memref<16x128xi32, #tpu.memory_space<vmem>>
    %dma_start3A_125 = arith.constant 0 : i32
    %dma_start3A_126 = arith.constant 0 : i32
    %dma_start3A_127 = tpu.memref_slice %arg3[%dma_start3A_125, %dma_start3A_126] : memref<2500x128xi32, #tpu.memory_space<hbm>> -> memref<2500x128xi32, #tpu.memory_space<hbm>>
    tpu.enqueue_indirect_dma source(%dma_start3A_127 : memref<2500x128xi32, #tpu.memory_space<hbm>>) target(%dma_start3A_124 : memref<16x128xi32, #tpu.memory_space<vmem>>) offsets(%min3A_119 : vector<16xi32>) semaphore(%arg12 : memref<!tpu.dma_semaphore, #tpu.memory_space<semaphore_mem>>)
    %dma_start3A_128 = arith.constant 1 : i32
    %dma_start3A_129 = arith.constant 48 : i32
    %dma_start3A_130 = arith.constant 0 : i32
    %dma_start3A_131 = tpu.memref_slice %arg8[%dma_start3A_128, %dma_start3A_129, %dma_start3A_130] : memref<2x80x128xi32, #tpu.memory_space<vmem>> -> memref<1x16x128xi32, #tpu.memory_space<vmem>>
    %dma_start3A_132 = tpu.memref_squeeze %dma_start3A_131 : memref<1x16x128xi32, #tpu.memory_space<vmem>> -> memref<16x128xi32, #tpu.memory_space<vmem>>
    %dma_start3A_133 = arith.constant 0 : i32
    %dma_start3A_134 = arith.constant 0 : i32
    %dma_start3A_135 = tpu.memref_slice %arg4[%dma_start3A_133, %dma_start3A_134] : memref<2500x128xi32, #tpu.memory_space<hbm>> -> memref<2500x128xi32, #tpu.memory_space<hbm>>
    tpu.enqueue_indirect_dma source(%dma_start3A_135 : memref<2500x128xi32, #tpu.memory_space<hbm>>) target(%dma_start3A_132 : memref<16x128xi32, #tpu.memory_space<vmem>>) offsets(%min3A_119 : vector<16xi32>) semaphore(%arg12 : memref<!tpu.dma_semaphore, #tpu.memory_space<semaphore_mem>>)
    %add3A_136 = arith.constant 64 : i32
    %add3A_137 = vector.broadcast %add3A_136 : i32 to vector<16xi32>
    %add3A_138 = arith.addi %add3A_137, %iota3A : vector<16xi32>
    %mul3A_139 = arith.constant 32 : i32
    %mul3A_140 = vector.broadcast %mul3A_139 : i32 to vector<16xi32>
    %mul3A_141 = arith.muli %add3A_138, %mul3A_140 : vector<16xi32>
    %add3A_142 = vector.broadcast %add3A : i32 to vector<16xi32>
    %add3A_143 = arith.addi %mul3A_141, %add3A_142 : vector<16xi32>
    %min3A_144 = vector.broadcast %add3A_32 : i32 to vector<16xi32>
    %min3A_145 = arith.minsi %add3A_143, %min3A_144 : vector<16xi32>
    %dma_start3A_146 = arith.constant 0 : i32
    %dma_start3A_147 = arith.constant 64 : i32
    %dma_start3A_148 = arith.constant 0 : i32
    %dma_start3A_149 = tpu.memref_slice %arg8[%dma_start3A_146, %dma_start3A_147, %dma_start3A_148] : memref<2x80x128xi32, #tpu.memory_space<vmem>> -> memref<1x16x128xi32, #tpu.memory_space<vmem>>
    %dma_start3A_150 = tpu.memref_squeeze %dma_start3A_149 : memref<1x16x128xi32, #tpu.memory_space<vmem>> -> memref<16x128xi32, #tpu.memory_space<vmem>>
    %dma_start3A_151 = arith.constant 0 : i32
    %dma_start3A_152 = arith.constant 0 : i32
    %dma_start3A_153 = tpu.memref_slice %arg3[%dma_start3A_151, %dma_start3A_152] : memref<2500x128xi32, #tpu.memory_space<hbm>> -> memref<2500x128xi32, #tpu.memory_space<hbm>>
    tpu.enqueue_indirect_dma source(%dma_start3A_153 : memref<2500x128xi32, #tpu.memory_space<hbm>>) target(%dma_start3A_150 : memref<16x128xi32, #tpu.memory_space<vmem>>) offsets(%min3A_145 : vector<16xi32>) semaphore(%arg12 : memref<!tpu.dma_semaphore, #tpu.memory_space<semaphore_mem>>)
    %dma_start3A_154 = arith.constant 1 : i32
    %dma_start3A_155 = arith.constant 64 : i32
    %dma_start3A_156 = arith.constant 0 : i32
    %dma_start3A_157 = tpu.memref_slice %arg8[%dma_start3A_154, %dma_start3A_155, %dma_start3A_156] : memref<2x80x128xi32, #tpu.memory_space<vmem>> -> memref<1x16x128xi32, #tpu.memory_space<vmem>>
    %dma_start3A_158 = tpu.memref_squeeze %dma_start3A_157 : memref<1x16x128xi32, #tpu.memory_space<vmem>> -> memref<16x128xi32, #tpu.memory_space<vmem>>
    %dma_start3A_159 = arith.constant 0 : i32
    %dma_start3A_160 = arith.constant 0 : i32
    %dma_start3A_161 = tpu.memref_slice %arg4[%dma_start3A_159, %dma_start3A_160] : memref<2500x128xi32, #tpu.memory_space<hbm>> -> memref<2500x128xi32, #tpu.memory_space<hbm>>
    tpu.enqueue_indirect_dma source(%dma_start3A_161 : memref<2500x128xi32, #tpu.memory_space<hbm>>) target(%dma_start3A_158 : memref<16x128xi32, #tpu.memory_space<vmem>>) offsets(%min3A_145 : vector<16xi32>) semaphore(%arg12 : memref<!tpu.dma_semaphore, #tpu.memory_space<semaphore_mem>>)
    %scan3A = arith.constant 0 : i32
    %scan3A_162 = arith.constant 0 : i32
    %scan3A_163 = arith.constant 320 : i32
    %scan3A_164 = arith.addi %scan3A_162, %scan3A_163 : i32
    %scan3A_165 = arith.constant 1 : i32
    %scan3A_166 = scf.for %scan3A_301 = %scan3A_162 to %scan3A_164 step %scan3A_165 iter_args(%scan3A_302 = %scan3A) -> (i32)  : i32 {
      %broadcast_in_dim3A_303 = arith.constant 0.000000e+00 : f32
      %broadcast_in_dim3A_304 = vector.broadcast %broadcast_in_dim3A_303 : f32 to vector<16xf32>
      %mul3A_305 = arith.constant 16 : i32
      %mul3A_306 = arith.muli %scan3A_301, %mul3A_305 : i32
      %swap3A = arith.index_cast %mul3A_306 : i32 to index
      %swap3A_307 = tpu.vector_load %arg10[%swap3A] {strides = array<i32>} : memref<5120xf32, #tpu.memory_space<vmem>>, vector<16xf32>,
      tpu.vector_store %arg10[%swap3A], %broadcast_in_dim3A_304 {strides = array<i32>} : memref<5120xf32, #tpu.memory_space<vmem>>, vector<16xf32>,
      %scan3A_308 = arith.constant 0 : i32
      scf.yield %scan3A_308 : i32
    }
    %scan3A_167 = arith.constant 320 : i32
    %dma_wait3A = arith.constant 0 : i32
    %dma_wait3A_168 = arith.constant 0 : i32
    %dma_wait3A_169 = arith.constant 0 : i32
    %dma_wait3A_170 = tpu.memref_slice %arg8[%dma_wait3A, %dma_wait3A_168, %dma_wait3A_169] : memref<2x80x128xi32, #tpu.memory_space<vmem>> -> memref<1x16x128xi32, #tpu.memory_space<vmem>>
    %dma_wait3A_171 = tpu.memref_squeeze %dma_wait3A_170 : memref<1x16x128xi32, #tpu.memory_space<vmem>> -> memref<16x128xi32, #tpu.memory_space<vmem>>
    %dma_wait3A_172 = arith.constant 0 : i32
    %dma_wait3A_173 = arith.constant 0 : i32
    %dma_wait3A_174 = tpu.memref_slice %arg3[%dma_wait3A_172, %dma_wait3A_173] : memref<2500x128xi32, #tpu.memory_space<hbm>> -> memref<2500x128xi32, #tpu.memory_space<hbm>>
    tpu.wait_indirect_dma semaphore(%arg12 : memref<!tpu.dma_semaphore, #tpu.memory_space<semaphore_mem>>) src(%dma_wait3A_174 : memref<2500x128xi32, #tpu.memory_space<hbm>>) dst(%dma_wait3A_171 : memref<16x128xi32, #tpu.memory_space<vmem>>)
    %dma_wait3A_175 = arith.constant 1 : i32
    %dma_wait3A_176 = arith.constant 0 : i32
    %dma_wait3A_177 = arith.constant 0 : i32
    %dma_wait3A_178 = tpu.memref_slice %arg8[%dma_wait3A_175, %dma_wait3A_176, %dma_wait3A_177] : memref<2x80x128xi32, #tpu.memory_space<vmem>> -> memref<1x16x128xi32, #tpu.memory_space<vmem>>
    %dma_wait3A_179 = tpu.memref_squeeze %dma_wait3A_178 : memref<1x16x128xi32, #tpu.memory_space<vmem>> -> memref<16x128xi32, #tpu.memory_space<vmem>>
    %dma_wait3A_180 = arith.constant 0 : i32
    %dma_wait3A_181 = arith.constant 0 : i32
    %dma_wait3A_182 = tpu.memref_slice %arg4[%dma_wait3A_180, %dma_wait3A_181] : memref<2500x128xi32, #tpu.memory_space<hbm>> -> memref<2500x128xi32, #tpu.memory_space<hbm>>
    tpu.wait_indirect_dma semaphore(%arg12 : memref<!tpu.dma_semaphore, #tpu.memory_space<semaphore_mem>>) src(%dma_wait3A_182 : memref<2500x128xi32, #tpu.memory_space<hbm>>) dst(%dma_wait3A_179 : memref<16x128xi32, #tpu.memory_space<vmem>>)
    %dma_wait3A_183 = arith.constant 0 : i32
    %dma_wait3A_184 = arith.constant 16 : i32
    %dma_wait3A_185 = arith.constant 0 : i32
    %dma_wait3A_186 = tpu.memref_slice %arg8[%dma_wait3A_183, %dma_wait3A_184, %dma_wait3A_185] : memref<2x80x128xi32, #tpu.memory_space<vmem>> -> memref<1x16x128xi32, #tpu.memory_space<vmem>>
    %dma_wait3A_187 = tpu.memref_squeeze %dma_wait3A_186 : memref<1x16x128xi32, #tpu.memory_space<vmem>> -> memref<16x128xi32, #tpu.memory_space<vmem>>
    %dma_wait3A_188 = arith.constant 0 : i32
    %dma_wait3A_189 = arith.constant 0 : i32
    %dma_wait3A_190 = tpu.memref_slice %arg3[%dma_wait3A_188, %dma_wait3A_189] : memref<2500x128xi32, #tpu.memory_space<hbm>> -> memref<2500x128xi32, #tpu.memory_space<hbm>>
    tpu.wait_indirect_dma semaphore(%arg12 : memref<!tpu.dma_semaphore, #tpu.memory_space<semaphore_mem>>) src(%dma_wait3A_190 : memref<2500x128xi32, #tpu.memory_space<hbm>>) dst(%dma_wait3A_187 : memref<16x128xi32, #tpu.memory_space<vmem>>)
    %dma_wait3A_191 = arith.constant 1 : i32
    %dma_wait3A_192 = arith.constant 16 : i32
    %dma_wait3A_193 = arith.constant 0 : i32
    %dma_wait3A_194 = tpu.memref_slice %arg8[%dma_wait3A_191, %dma_wait3A_192, %dma_wait3A_193] : memref<2x80x128xi32, #tpu.memory_space<vmem>> -> memref<1x16x128xi32, #tpu.memory_space<vmem>>
    %dma_wait3A_195 = tpu.memref_squeeze %dma_wait3A_194 : memref<1x16x128xi32, #tpu.memory_space<vmem>> -> memref<16x128xi32, #tpu.memory_space<vmem>>
    %dma_wait3A_196 = arith.constant 0 : i32
    %dma_wait3A_197 = arith.constant 0 : i32
    %dma_wait3A_198 = tpu.memref_slice %arg4[%dma_wait3A_196, %dma_wait3A_197] : memref<2500x128xi32, #tpu.memory_space<hbm>> -> memref<2500x128xi32, #tpu.memory_space<hbm>>
    tpu.wait_indirect_dma semaphore(%arg12 : memref<!tpu.dma_semaphore, #tpu.memory_space<semaphore_mem>>) src(%dma_wait3A_198 : memref<2500x128xi32, #tpu.memory_space<hbm>>) dst(%dma_wait3A_195 : memref<16x128xi32, #tpu.memory_space<vmem>>)
    %dma_wait3A_199 = arith.constant 0 : i32
    %dma_wait3A_200 = arith.constant 32 : i32
    %dma_wait3A_201 = arith.constant 0 : i32
    %dma_wait3A_202 = tpu.memref_slice %arg8[%dma_wait3A_199, %dma_wait3A_200, %dma_wait3A_201] : memref<2x80x128xi32, #tpu.memory_space<vmem>> -> memref<1x16x128xi32, #tpu.memory_space<vmem>>
    %dma_wait3A_203 = tpu.memref_squeeze %dma_wait3A_202 : memref<1x16x128xi32, #tpu.memory_space<vmem>> -> memref<16x128xi32, #tpu.memory_space<vmem>>
    %dma_wait3A_204 = arith.constant 0 : i32
    %dma_wait3A_205 = arith.constant 0 : i32
    %dma_wait3A_206 = tpu.memref_slice %arg3[%dma_wait3A_204, %dma_wait3A_205] : memref<2500x128xi32, #tpu.memory_space<hbm>> -> memref<2500x128xi32, #tpu.memory_space<hbm>>
    tpu.wait_indirect_dma semaphore(%arg12 : memref<!tpu.dma_semaphore, #tpu.memory_space<semaphore_mem>>) src(%dma_wait3A_206 : memref<2500x128xi32, #tpu.memory_space<hbm>>) dst(%dma_wait3A_203 : memref<16x128xi32, #tpu.memory_space<vmem>>)
    %dma_wait3A_207 = arith.constant 1 : i32
    %dma_wait3A_208 = arith.constant 32 : i32
    %dma_wait3A_209 = arith.constant 0 : i32
    %dma_wait3A_210 = tpu.memref_slice %arg8[%dma_wait3A_207, %dma_wait3A_208, %dma_wait3A_209] : memref<2x80x128xi32, #tpu.memory_space<vmem>> -> memref<1x16x128xi32, #tpu.memory_space<vmem>>
    %dma_wait3A_211 = tpu.memref_squeeze %dma_wait3A_210 : memref<1x16x128xi32, #tpu.memory_space<vmem>> -> memref<16x128xi32, #tpu.memory_space<vmem>>
    %dma_wait3A_212 = arith.constant 0 : i32
    %dma_wait3A_213 = arith.constant 0 : i32
    %dma_wait3A_214 = tpu.memref_slice %arg4[%dma_wait3A_212, %dma_wait3A_213] : memref<2500x128xi32, #tpu.memory_space<hbm>> -> memref<2500x128xi32, #tpu.memory_space<hbm>>
    tpu.wait_indirect_dma semaphore(%arg12 : memref<!tpu.dma_semaphore, #tpu.memory_space<semaphore_mem>>) src(%dma_wait3A_214 : memref<2500x128xi32, #tpu.memory_space<hbm>>) dst(%dma_wait3A_211 : memref<16x128xi32, #tpu.memory_space<vmem>>)
    %dma_wait3A_215 = arith.constant 0 : i32
    %dma_wait3A_216 = arith.constant 48 : i32
    %dma_wait3A_217 = arith.constant 0 : i32
    %dma_wait3A_218 = tpu.memref_slice %arg8[%dma_wait3A_215, %dma_wait3A_216, %dma_wait3A_217] : memref<2x80x128xi32, #tpu.memory_space<vmem>> -> memref<1x16x128xi32, #tpu.memory_space<vmem>>
    %dma_wait3A_219 = tpu.memref_squeeze %dma_wait3A_218 : memref<1x16x128xi32, #tpu.memory_space<vmem>> -> memref<16x128xi32, #tpu.memory_space<vmem>>
    %dma_wait3A_220 = arith.constant 0 : i32
    %dma_wait3A_221 = arith.constant 0 : i32
    %dma_wait3A_222 = tpu.memref_slice %arg3[%dma_wait3A_220, %dma_wait3A_221] : memref<2500x128xi32, #tpu.memory_space<hbm>> -> memref<2500x128xi32, #tpu.memory_space<hbm>>
    tpu.wait_indirect_dma semaphore(%arg12 : memref<!tpu.dma_semaphore, #tpu.memory_space<semaphore_mem>>) src(%dma_wait3A_222 : memref<2500x128xi32, #tpu.memory_space<hbm>>) dst(%dma_wait3A_219 : memref<16x128xi32, #tpu.memory_space<vmem>>)
    %dma_wait3A_223 = arith.constant 1 : i32
    %dma_wait3A_224 = arith.constant 48 : i32
    %dma_wait3A_225 = arith.constant 0 : i32
    %dma_wait3A_226 = tpu.memref_slice %arg8[%dma_wait3A_223, %dma_wait3A_224, %dma_wait3A_225] : memref<2x80x128xi32, #tpu.memory_space<vmem>> -> memref<1x16x128xi32, #tpu.memory_space<vmem>>
    %dma_wait3A_227 = tpu.memref_squeeze %dma_wait3A_226 : memref<1x16x128xi32, #tpu.memory_space<vmem>> -> memref<16x128xi32, #tpu.memory_space<vmem>>
    %dma_wait3A_228 = arith.constant 0 : i32
    %dma_wait3A_229 = arith.constant 0 : i32
    %dma_wait3A_230 = tpu.memref_slice %arg4[%dma_wait3A_228, %dma_wait3A_229] : memref<2500x128xi32, #tpu.memory_space<hbm>> -> memref<2500x128xi32, #tpu.memory_space<hbm>>
    tpu.wait_indirect_dma semaphore(%arg12 : memref<!tpu.dma_semaphore, #tpu.memory_space<semaphore_mem>>) src(%dma_wait3A_230 : memref<2500x128xi32, #tpu.memory_space<hbm>>) dst(%dma_wait3A_227 : memref<16x128xi32, #tpu.memory_space<vmem>>)
    %dma_wait3A_231 = arith.constant 0 : i32
    %dma_wait3A_232 = arith.constant 64 : i32
    %dma_wait3A_233 = arith.constant 0 : i32
    %dma_wait3A_234 = tpu.memref_slice %arg8[%dma_wait3A_231, %dma_wait3A_232, %dma_wait3A_233] : memref<2x80x128xi32, #tpu.memory_space<vmem>> -> memref<1x16x128xi32, #tpu.memory_space<vmem>>
    %dma_wait3A_235 = tpu.memref_squeeze %dma_wait3A_234 : memref<1x16x128xi32, #tpu.memory_space<vmem>> -> memref<16x128xi32, #tpu.memory_space<vmem>>
    %dma_wait3A_236 = arith.constant 0 : i32
    %dma_wait3A_237 = arith.constant 0 : i32
    %dma_wait3A_238 = tpu.memref_slice %arg3[%dma_wait3A_236, %dma_wait3A_237] : memref<2500x128xi32, #tpu.memory_space<hbm>> -> memref<2500x128xi32, #tpu.memory_space<hbm>>
    tpu.wait_indirect_dma semaphore(%arg12 : memref<!tpu.dma_semaphore, #tpu.memory_space<semaphore_mem>>) src(%dma_wait3A_238 : memref<2500x128xi32, #tpu.memory_space<hbm>>) dst(%dma_wait3A_235 : memref<16x128xi32, #tpu.memory_space<vmem>>)
    %dma_wait3A_239 = arith.constant 1 : i32
    %dma_wait3A_240 = arith.constant 64 : i32
    %dma_wait3A_241 = arith.constant 0 : i32
    %dma_wait3A_242 = tpu.memref_slice %arg8[%dma_wait3A_239, %dma_wait3A_240, %dma_wait3A_241] : memref<2x80x128xi32, #tpu.memory_space<vmem>> -> memref<1x16x128xi32, #tpu.memory_space<vmem>>
    %dma_wait3A_243 = tpu.memref_squeeze %dma_wait3A_242 : memref<1x16x128xi32, #tpu.memory_space<vmem>> -> memref<16x128xi32, #tpu.memory_space<vmem>>
    %dma_wait3A_244 = arith.constant 0 : i32
    %dma_wait3A_245 = arith.constant 0 : i32
    %dma_wait3A_246 = tpu.memref_slice %arg4[%dma_wait3A_244, %dma_wait3A_245] : memref<2500x128xi32, #tpu.memory_space<hbm>> -> memref<2500x128xi32, #tpu.memory_space<hbm>>
    tpu.wait_indirect_dma semaphore(%arg12 : memref<!tpu.dma_semaphore, #tpu.memory_space<semaphore_mem>>) src(%dma_wait3A_246 : memref<2500x128xi32, #tpu.memory_space<hbm>>) dst(%dma_wait3A_243 : memref<16x128xi32, #tpu.memory_space<vmem>>)
    %dma_wait3A_247 = arith.constant 0 : i32
    %dma_wait3A_248 = tpu.memref_slice %arg11[%mul3A_2, %dma_wait3A_247] : memref<5120x128xf32, #tpu.memory_space<vmem_shared>> -> memref<320x128xf32, #tpu.memory_space<vmem_shared>>
    %dma_wait3A_249 = arith.constant 0 : i32
    %dma_wait3A_250 = tpu.memref_slice %arg5[%mul3A_2, %dma_wait3A_249] : memref<5120x128xf32, #tpu.memory_space<hbm>> -> memref<320x128xf32, #tpu.memory_space<hbm>>
    tpu.wait_dma2 semaphore(%arg12 : memref<!tpu.dma_semaphore, #tpu.memory_space<semaphore_mem>>) src(%dma_wait3A_250 : memref<320x128xf32, #tpu.memory_space<hbm>>) dst(%dma_wait3A_248 : memref<320x128xf32, #tpu.memory_space<vmem_shared>>)
    %barrier3A = arith.constant 0 : index
    tpu.barrier barrier_id(%barrier3A)
    %broadcast_in_dim3A = arith.constant 1.000000e+00 : f32
    %broadcast_in_dim3A_251 = vector.broadcast %broadcast_in_dim3A : f32 to vector<16xf32>
    %dma_start3A_252 = arith.constant 0 : i32
    %dma_start3A_253 = arith.constant 0 : i32
    %dma_start3A_254 = arith.constant 0 : i32
    %dma_start3A_255 = arith.constant 0 : i32
    %dma_start3A_256 = arith.constant 0 : i32
    %dma_start3A_257 = arith.constant 0 : i32
    %dma_start3A_258 = tpu.memref_slice %arg9[%dma_start3A_254, %dma_start3A_256, %dma_start3A_257] : memref<3x128x128xf32, #tpu.memory_space<vmem>> -> memref<1x128x128xf32, #tpu.memory_space<vmem>>
    %dma_start3A_259 = tpu.memref_squeeze %dma_start3A_258 : memref<1x128x128xf32, #tpu.memory_space<vmem>> -> memref<128x128xf32, #tpu.memory_space<vmem>>
    %dma_start3A_260 = arith.constant 0 : i32
    %dma_start3A_261 = tpu.memref_slice %arg8[%dma_start3A_252, %dma_start3A_253, %dma_start3A_260] : memref<2x80x128xi32, #tpu.memory_space<vmem>> -> memref<1x1x128xi32, #tpu.memory_space<vmem>>
    %dma_start3A_262 = tpu.memref_squeeze %dma_start3A_261 : memref<1x1x128xi32, #tpu.memory_space<vmem>> -> memref<128xi32, #tpu.memory_space<vmem>>
    %dma_start3A_263 = arith.constant 0 : i32
    %dma_start3A_264 = arith.constant 0 : i32
    %dma_start3A_265 = tpu.memref_slice %arg2[%dma_start3A_263, %dma_start3A_264] : memref<10000x128xf32, #tpu.memory_space<hbm>> -> memref<10000x128xf32, #tpu.memory_space<hbm>>
    %dma_start3A_266 = tpu.memref_slice %arg13[%dma_start3A_255] : memref<3x!tpu.dma_semaphore, #tpu.memory_space<semaphore_mem>> -> memref<1x!tpu.dma_semaphore, #tpu.memory_space<semaphore_mem>>
    %dma_start3A_267 = tpu.memref_squeeze %dma_start3A_266 : memref<1x!tpu.dma_semaphore, #tpu.memory_space<semaphore_mem>> -> memref<!tpu.dma_semaphore, #tpu.memory_space<semaphore_mem>>
    tpu.enqueue_indirect_dma source(%dma_start3A_265 : memref<10000x128xf32, #tpu.memory_space<hbm>>) target(%dma_start3A_259 : memref<128x128xf32, #tpu.memory_space<vmem>>) offsets(%dma_start3A_262 : memref<128xi32, #tpu.memory_space<vmem>>) semaphore(%dma_start3A_267 : memref<!tpu.dma_semaphore, #tpu.memory_space<semaphore_mem>>)
    %gt3A = arith.constant 1 : i32
    %gt3A_268 = arith.cmpi sgt, %select_n3A, %gt3A : i32
    %convert_element_type3A = arith.extui %gt3A_268 : i1 to i32
    %cond3A = arith.constant 0 : i32
    %cond3A_269 = arith.cmpi ne, %convert_element_type3A, %cond3A : i32
    scf.if %cond3A_269 {
      %dma_start3A_301 = arith.constant 0 : i32
      %dma_start3A_302 = arith.constant 1 : i32
      %dma_start3A_303 = arith.constant 1 : i32
      %dma_start3A_304 = arith.constant 1 : i32
      %dma_start3A_305 = arith.constant 0 : i32
      %dma_start3A_306 = arith.constant 0 : i32
      %dma_start3A_307 = tpu.memref_slice %arg9[%dma_start3A_303, %dma_start3A_305, %dma_start3A_306] : memref<3x128x128xf32, #tpu.memory_space<vmem>> -> memref<1x128x128xf32, #tpu.memory_space<vmem>>
      %dma_start3A_308 = tpu.memref_squeeze %dma_start3A_307 : memref<1x128x128xf32, #tpu.memory_space<vmem>> -> memref<128x128xf32, #tpu.memory_space<vmem>>
      %dma_start3A_309 = arith.constant 0 : i32
      %dma_start3A_310 = tpu.memref_slice %arg8[%dma_start3A_301, %dma_start3A_302, %dma_start3A_309] : memref<2x80x128xi32, #tpu.memory_space<vmem>> -> memref<1x1x128xi32, #tpu.memory_space<vmem>>
      %dma_start3A_311 = tpu.memref_squeeze %dma_start3A_310 : memref<1x1x128xi32, #tpu.memory_space<vmem>> -> memref<128xi32, #tpu.memory_space<vmem>>
      %dma_start3A_312 = arith.constant 0 : i32
      %dma_start3A_313 = arith.constant 0 : i32
      %dma_start3A_314 = tpu.memref_slice %arg2[%dma_start3A_312, %dma_start3A_313] : memref<10000x128xf32, #tpu.memory_space<hbm>> -> memref<10000x128xf32, #tpu.memory_space<hbm>>
      %dma_start3A_315 = tpu.memref_slice %arg13[%dma_start3A_304] : memref<3x!tpu.dma_semaphore, #tpu.memory_space<semaphore_mem>> -> memref<1x!tpu.dma_semaphore, #tpu.memory_space<semaphore_mem>>
      %dma_start3A_316 = tpu.memref_squeeze %dma_start3A_315 : memref<1x!tpu.dma_semaphore, #tpu.memory_space<semaphore_mem>> -> memref<!tpu.dma_semaphore, #tpu.memory_space<semaphore_mem>>
      tpu.enqueue_indirect_dma source(%dma_start3A_314 : memref<10000x128xf32, #tpu.memory_space<hbm>>) target(%dma_start3A_308 : memref<128x128xf32, #tpu.memory_space<vmem>>) offsets(%dma_start3A_311 : memref<128xi32, #tpu.memory_space<vmem>>) semaphore(%dma_start3A_316 : memref<!tpu.dma_semaphore, #tpu.memory_space<semaphore_mem>>)
    } else {
    }
    %while3A = arith.constant 0 : i32
    %while3A_270 = arith.constant 0 : i32
    %while3A_271 = arith.subi %select_n3A, %while3A : i32
    %while3A_272 = arith.addi %while3A, %while3A_271 : i32
    %while3A_273 = arith.constant 1 : i32
    %while3A_274 = arith.divsi %while3A_271, %while3A_273 : i32
    %while3A_275 = arith.muli %while3A_274, %while3A_273 : i32
    %while3A_276 = arith.addi %while3A, %while3A_275 : i32
    %while3A_277 = arith.constant 1 : i32
    %while3A_278 = scf.for %while3A_301 = %while3A to %while3A_276 step %while3A_277 iter_args(%while3A_302 = %while3A_270) -> (i32)  : i32 {
      %rem3A_303 = arith.constant 3 : i32
      %rem3A_304 = arith.remsi %while3A_301, %rem3A_303 : i32
      %ge3A = arith.constant 1 : i32
      %ge3A_305 = arith.cmpi sge, %while3A_301, %ge3A : i32
      %convert_element_type3A_306 = arith.extui %ge3A_305 : i1 to i32
      %cond3A_307 = arith.constant 0 : i32
      %cond3A_308 = arith.cmpi ne, %convert_element_type3A_306, %cond3A_307 : i32
      scf.if %cond3A_308 {
        %sub3A_380 = arith.constant 1 : i32
        %sub3A_381 = arith.subi %while3A_301, %sub3A_380 : i32
        %rem3A_382 = arith.constant 3 : i32
        %rem3A_383 = arith.remsi %sub3A_381, %rem3A_382 : i32
        %sub3A_384 = arith.constant 1 : i32
        %sub3A_385 = arith.subi %while3A_301, %sub3A_384 : i32
        %dma_wait3A_386 = arith.constant 1 : i32
        %dma_wait3A_387 = arith.constant 0 : i32
        %dma_wait3A_388 = arith.constant 0 : i32
        %dma_wait3A_389 = tpu.memref_slice %arg9[%rem3A_383, %dma_wait3A_387, %dma_wait3A_388] : memref<3x128x128xf32, #tpu.memory_space<vmem>> -> memref<1x128x128xf32, #tpu.memory_space<vmem>>
        %dma_wait3A_390 = tpu.memref_squeeze %dma_wait3A_389 : memref<1x128x128xf32, #tpu.memory_space<vmem>> -> memref<128x128xf32, #tpu.memory_space<vmem>>
        %dma_wait3A_391 = arith.constant 0 : i32
        %dma_wait3A_392 = tpu.memref_slice %arg8[%dma_wait3A_386, %sub3A_385, %dma_wait3A_391] : memref<2x80x128xi32, #tpu.memory_space<vmem>> -> memref<1x1x128xi32, #tpu.memory_space<vmem>>
        %dma_wait3A_393 = tpu.memref_squeeze %dma_wait3A_392 : memref<1x1x128xi32, #tpu.memory_space<vmem>> -> memref<128xi32, #tpu.memory_space<vmem>>
        %dma_wait3A_394 = arith.constant 0 : i32
        %dma_wait3A_395 = arith.constant 0 : i32
        %dma_wait3A_396 = tpu.memref_slice %arg11[%dma_wait3A_394, %dma_wait3A_395] : memref<5120x128xf32, #tpu.memory_space<vmem_shared>> -> memref<5120x128xf32, #tpu.memory_space<vmem_shared>>
        %dma_wait3A_397 = tpu.memref_slice %arg14[%rem3A_383] : memref<3x!tpu.dma_semaphore, #tpu.memory_space<semaphore_mem>> -> memref<1x!tpu.dma_semaphore, #tpu.memory_space<semaphore_mem>>
        %dma_wait3A_398 = tpu.memref_squeeze %dma_wait3A_397 : memref<1x!tpu.dma_semaphore, #tpu.memory_space<semaphore_mem>> -> memref<!tpu.dma_semaphore, #tpu.memory_space<semaphore_mem>>
        tpu.wait_indirect_dma semaphore(%dma_wait3A_398 : memref<!tpu.dma_semaphore, #tpu.memory_space<semaphore_mem>>) src(%dma_wait3A_390 : memref<128x128xf32, #tpu.memory_space<vmem>>) dst(%dma_wait3A_396 : memref<5120x128xf32, #tpu.memory_space<vmem_shared>>)
      } else {
      }
      %add3A_309 = arith.constant 2 : i32
      %add3A_310 = arith.addi %while3A_301, %add3A_309 : i32
      %lt3A = arith.cmpi slt, %add3A_310, %select_n3A : i32
      %convert_element_type3A_311 = arith.extui %lt3A : i1 to i32
      %cond3A_312 = arith.constant 0 : i32
      %cond3A_313 = arith.cmpi ne, %convert_element_type3A_311, %cond3A_312 : i32
      scf.if %cond3A_313 {
        %add3A_380 = arith.constant 2 : i32
        %add3A_381 = arith.addi %while3A_301, %add3A_380 : i32
        %add3A_382 = arith.constant 2 : i32
        %add3A_383 = arith.addi %while3A_301, %add3A_382 : i32
        %rem3A_384 = arith.constant 3 : i32
        %rem3A_385 = arith.remsi %add3A_383, %rem3A_384 : i32
        %dma_start3A_386 = arith.constant 0 : i32
        %dma_start3A_387 = arith.constant 0 : i32
        %dma_start3A_388 = arith.constant 0 : i32
        %dma_start3A_389 = tpu.memref_slice %arg9[%rem3A_385, %dma_start3A_387, %dma_start3A_388] : memref<3x128x128xf32, #tpu.memory_space<vmem>> -> memref<1x128x128xf32, #tpu.memory_space<vmem>>
        %dma_start3A_390 = tpu.memref_squeeze %dma_start3A_389 : memref<1x128x128xf32, #tpu.memory_space<vmem>> -> memref<128x128xf32, #tpu.memory_space<vmem>>
        %dma_start3A_391 = arith.constant 0 : i32
        %dma_start3A_392 = tpu.memref_slice %arg8[%dma_start3A_386, %add3A_381, %dma_start3A_391] : memref<2x80x128xi32, #tpu.memory_space<vmem>> -> memref<1x1x128xi32, #tpu.memory_space<vmem>>
        %dma_start3A_393 = tpu.memref_squeeze %dma_start3A_392 : memref<1x1x128xi32, #tpu.memory_space<vmem>> -> memref<128xi32, #tpu.memory_space<vmem>>
        %dma_start3A_394 = arith.constant 0 : i32
        %dma_start3A_395 = arith.constant 0 : i32
        %dma_start3A_396 = tpu.memref_slice %arg2[%dma_start3A_394, %dma_start3A_395] : memref<10000x128xf32, #tpu.memory_space<hbm>> -> memref<10000x128xf32, #tpu.memory_space<hbm>>
        %dma_start3A_397 = tpu.memref_slice %arg13[%rem3A_385] : memref<3x!tpu.dma_semaphore, #tpu.memory_space<semaphore_mem>> -> memref<1x!tpu.dma_semaphore, #tpu.memory_space<semaphore_mem>>
        %dma_start3A_398 = tpu.memref_squeeze %dma_start3A_397 : memref<1x!tpu.dma_semaphore, #tpu.memory_space<semaphore_mem>> -> memref<!tpu.dma_semaphore, #tpu.memory_space<semaphore_mem>>
        tpu.enqueue_indirect_dma source(%dma_start3A_396 : memref<10000x128xf32, #tpu.memory_space<hbm>>) target(%dma_start3A_390 : memref<128x128xf32, #tpu.memory_space<vmem>>) offsets(%dma_start3A_393 : memref<128xi32, #tpu.memory_space<vmem>>) semaphore(%dma_start3A_398 : memref<!tpu.dma_semaphore, #tpu.memory_space<semaphore_mem>>)
      } else {
      }
      %get3A = arith.constant 1 : i32
      %get3A_314 = arith.index_cast %get3A : i32 to index
      %get3A_315 = arith.index_cast %while3A_301 : i32 to index
      %get3A_316 = arith.constant 0 : index
      %get3A_317 = tpu.vector_load %arg8[%get3A_314, %get3A_315, %get3A_316] {strides = array<i32>} : memref<2x80x128xi32, #tpu.memory_space<vmem>>, vector<16xi32>,
      tpu.vector_store_idx %arg10[%get3A_317], %broadcast_in_dim3A_251 {add = true} : memref<5120xf32, #tpu.memory_space<vmem>>[vector<16xi32>], vector<16xf32>,
      %get3A_318 = arith.constant 1 : i32
      %get3A_319 = arith.index_cast %get3A_318 : i32 to index
      %get3A_320 = arith.index_cast %while3A_301 : i32 to index
      %get3A_321 = arith.constant 16 : index
      %get3A_322 = tpu.vector_load %arg8[%get3A_319, %get3A_320, %get3A_321] {strides = array<i32>} : memref<2x80x128xi32, #tpu.memory_space<vmem>>, vector<16xi32>,
      tpu.vector_store_idx %arg10[%get3A_322], %broadcast_in_dim3A_251 {add = true} : memref<5120xf32, #tpu.memory_space<vmem>>[vector<16xi32>], vector<16xf32>,
      %get3A_323 = arith.constant 1 : i32
      %get3A_324 = arith.index_cast %get3A_323 : i32 to index
      %get3A_325 = arith.index_cast %while3A_301 : i32 to index
      %get3A_326 = arith.constant 32 : index
      %get3A_327 = tpu.vector_load %arg8[%get3A_324, %get3A_325, %get3A_326] {strides = array<i32>} : memref<2x80x128xi32, #tpu.memory_space<vmem>>, vector<16xi32>,
      tpu.vector_store_idx %arg10[%get3A_327], %broadcast_in_dim3A_251 {add = true} : memref<5120xf32, #tpu.memory_space<vmem>>[vector<16xi32>], vector<16xf32>,
      %get3A_328 = arith.constant 1 : i32
      %get3A_329 = arith.index_cast %get3A_328 : i32 to index
      %get3A_330 = arith.index_cast %while3A_301 : i32 to index
      %get3A_331 = arith.constant 48 : index
      %get3A_332 = tpu.vector_load %arg8[%get3A_329, %get3A_330, %get3A_331] {strides = array<i32>} : memref<2x80x128xi32, #tpu.memory_space<vmem>>, vector<16xi32>,
      tpu.vector_store_idx %arg10[%get3A_332], %broadcast_in_dim3A_251 {add = true} : memref<5120xf32, #tpu.memory_space<vmem>>[vector<16xi32>], vector<16xf32>,
      %get3A_333 = arith.constant 1 : i32
      %get3A_334 = arith.index_cast %get3A_333 : i32 to index
      %get3A_335 = arith.index_cast %while3A_301 : i32 to index
      %get3A_336 = arith.constant 64 : index
      %get3A_337 = tpu.vector_load %arg8[%get3A_334, %get3A_335, %get3A_336] {strides = array<i32>} : memref<2x80x128xi32, #tpu.memory_space<vmem>>, vector<16xi32>,
      tpu.vector_store_idx %arg10[%get3A_337], %broadcast_in_dim3A_251 {add = true} : memref<5120xf32, #tpu.memory_space<vmem>>[vector<16xi32>], vector<16xf32>,
      %get3A_338 = arith.constant 1 : i32
      %get3A_339 = arith.index_cast %get3A_338 : i32 to index
      %get3A_340 = arith.index_cast %while3A_301 : i32 to index
      %get3A_341 = arith.constant 80 : index
      %get3A_342 = tpu.vector_load %arg8[%get3A_339, %get3A_340, %get3A_341] {strides = array<i32>} : memref<2x80x128xi32, #tpu.memory_space<vmem>>, vector<16xi32>,
      tpu.vector_store_idx %arg10[%get3A_342], %broadcast_in_dim3A_251 {add = true} : memref<5120xf32, #tpu.memory_space<vmem>>[vector<16xi32>], vector<16xf32>,
      %get3A_343 = arith.constant 1 : i32
      %get3A_344 = arith.index_cast %get3A_343 : i32 to index
      %get3A_345 = arith.index_cast %while3A_301 : i32 to index
      %get3A_346 = arith.constant 96 : index
      %get3A_347 = tpu.vector_load %arg8[%get3A_344, %get3A_345, %get3A_346] {strides = array<i32>} : memref<2x80x128xi32, #tpu.memory_space<vmem>>, vector<16xi32>,
      tpu.vector_store_idx %arg10[%get3A_347], %broadcast_in_dim3A_251 {add = true} : memref<5120xf32, #tpu.memory_space<vmem>>[vector<16xi32>], vector<16xf32>,
      %get3A_348 = arith.constant 1 : i32
      %get3A_349 = arith.index_cast %get3A_348 : i32 to index
      %get3A_350 = arith.index_cast %while3A_301 : i32 to index
      %get3A_351 = arith.constant 112 : index
      %get3A_352 = tpu.vector_load %arg8[%get3A_349, %get3A_350, %get3A_351] {strides = array<i32>} : memref<2x80x128xi32, #tpu.memory_space<vmem>>, vector<16xi32>,
      tpu.vector_store_idx %arg10[%get3A_352], %broadcast_in_dim3A_251 {add = true} : memref<5120xf32, #tpu.memory_space<vmem>>[vector<16xi32>], vector<16xf32>,
      %dma_wait3A_353 = arith.constant 0 : i32
      %dma_wait3A_354 = arith.constant 0 : i32
      %dma_wait3A_355 = arith.constant 0 : i32
      %dma_wait3A_356 = tpu.memref_slice %arg9[%rem3A_304, %dma_wait3A_354, %dma_wait3A_355] : memref<3x128x128xf32, #tpu.memory_space<vmem>> -> memref<1x128x128xf32, #tpu.memory_space<vmem>>
      %dma_wait3A_357 = tpu.memref_squeeze %dma_wait3A_356 : memref<1x128x128xf32, #tpu.memory_space<vmem>> -> memref<128x128xf32, #tpu.memory_space<vmem>>
      %dma_wait3A_358 = arith.constant 0 : i32
      %dma_wait3A_359 = tpu.memref_slice %arg8[%dma_wait3A_353, %while3A_301, %dma_wait3A_358] : memref<2x80x128xi32, #tpu.memory_space<vmem>> -> memref<1x1x128xi32, #tpu.memory_space<vmem>>
      %dma_wait3A_360 = tpu.memref_squeeze %dma_wait3A_359 : memref<1x1x128xi32, #tpu.memory_space<vmem>> -> memref<128xi32, #tpu.memory_space<vmem>>
      %dma_wait3A_361 = arith.constant 0 : i32
      %dma_wait3A_362 = arith.constant 0 : i32
      %dma_wait3A_363 = tpu.memref_slice %arg2[%dma_wait3A_361, %dma_wait3A_362] : memref<10000x128xf32, #tpu.memory_space<hbm>> -> memref<10000x128xf32, #tpu.memory_space<hbm>>
      %dma_wait3A_364 = tpu.memref_slice %arg13[%rem3A_304] : memref<3x!tpu.dma_semaphore, #tpu.memory_space<semaphore_mem>> -> memref<1x!tpu.dma_semaphore, #tpu.memory_space<semaphore_mem>>
      %dma_wait3A_365 = tpu.memref_squeeze %dma_wait3A_364 : memref<1x!tpu.dma_semaphore, #tpu.memory_space<semaphore_mem>> -> memref<!tpu.dma_semaphore, #tpu.memory_space<semaphore_mem>>
      tpu.wait_indirect_dma semaphore(%dma_wait3A_365 : memref<!tpu.dma_semaphore, #tpu.memory_space<semaphore_mem>>) src(%dma_wait3A_363 : memref<10000x128xf32, #tpu.memory_space<hbm>>) dst(%dma_wait3A_357 : memref<128x128xf32, #tpu.memory_space<vmem>>)
      %dma_start3A_366 = arith.constant 1 : i32
      %dma_start3A_367 = arith.constant 0 : i32
      %dma_start3A_368 = arith.constant 0 : i32
      %dma_start3A_369 = tpu.memref_slice %arg9[%rem3A_304, %dma_start3A_367, %dma_start3A_368] : memref<3x128x128xf32, #tpu.memory_space<vmem>> -> memref<1x128x128xf32, #tpu.memory_space<vmem>>
      %dma_start3A_370 = tpu.memref_squeeze %dma_start3A_369 : memref<1x128x128xf32, #tpu.memory_space<vmem>> -> memref<128x128xf32, #tpu.memory_space<vmem>>
      %dma_start3A_371 = arith.constant 0 : i32
      %dma_start3A_372 = tpu.memref_slice %arg8[%dma_start3A_366, %while3A_301, %dma_start3A_371] : memref<2x80x128xi32, #tpu.memory_space<vmem>> -> memref<1x1x128xi32, #tpu.memory_space<vmem>>
      %dma_start3A_373 = tpu.memref_squeeze %dma_start3A_372 : memref<1x1x128xi32, #tpu.memory_space<vmem>> -> memref<128xi32, #tpu.memory_space<vmem>>
      %dma_start3A_374 = arith.constant 0 : i32
      %dma_start3A_375 = arith.constant 0 : i32
      %dma_start3A_376 = tpu.memref_slice %arg11[%dma_start3A_374, %dma_start3A_375] : memref<5120x128xf32, #tpu.memory_space<vmem_shared>> -> memref<5120x128xf32, #tpu.memory_space<vmem_shared>>
      %dma_start3A_377 = tpu.memref_slice %arg14[%rem3A_304] : memref<3x!tpu.dma_semaphore, #tpu.memory_space<semaphore_mem>> -> memref<1x!tpu.dma_semaphore, #tpu.memory_space<semaphore_mem>>
      %dma_start3A_378 = tpu.memref_squeeze %dma_start3A_377 : memref<1x!tpu.dma_semaphore, #tpu.memory_space<semaphore_mem>> -> memref<!tpu.dma_semaphore, #tpu.memory_space<semaphore_mem>>
      tpu.enqueue_indirect_dma source(%dma_start3A_370 : memref<128x128xf32, #tpu.memory_space<vmem>>) target(%dma_start3A_376 : memref<5120x128xf32, #tpu.memory_space<vmem_shared>>) offsets(%dma_start3A_373 : memref<128xi32, #tpu.memory_space<vmem>>) semaphore(%dma_start3A_378 : memref<!tpu.dma_semaphore, #tpu.memory_space<semaphore_mem>>) {add = true}
      %while3A_379 = arith.constant 0 : i32
      scf.yield %while3A_379 : i32
    }
    %while3A_279 = arith.constant 1 : i32
    %while3A_280 = scf.for %while3A_301 = %while3A_276 to %while3A_272 step %while3A_279 iter_args(%while3A_302 = %while3A_278) -> (i32)  : i32 {
      %rem3A_303 = arith.constant 3 : i32
      %rem3A_304 = arith.remsi %while3A_301, %rem3A_303 : i32
      %ge3A = arith.constant 1 : i32
      %ge3A_305 = arith.cmpi sge, %while3A_301, %ge3A : i32
      %convert_element_type3A_306 = arith.extui %ge3A_305 : i1 to i32
      %cond3A_307 = arith.constant 0 : i32
      %cond3A_308 = arith.cmpi ne, %convert_element_type3A_306, %cond3A_307 : i32
      scf.if %cond3A_308 {
        %sub3A_380 = arith.constant 1 : i32
        %sub3A_381 = arith.subi %while3A_301, %sub3A_380 : i32
        %rem3A_382 = arith.constant 3 : i32
        %rem3A_383 = arith.remsi %sub3A_381, %rem3A_382 : i32
        %sub3A_384 = arith.constant 1 : i32
        %sub3A_385 = arith.subi %while3A_301, %sub3A_384 : i32
        %dma_wait3A_386 = arith.constant 1 : i32
        %dma_wait3A_387 = arith.constant 0 : i32
        %dma_wait3A_388 = arith.constant 0 : i32
        %dma_wait3A_389 = tpu.memref_slice %arg9[%rem3A_383, %dma_wait3A_387, %dma_wait3A_388] : memref<3x128x128xf32, #tpu.memory_space<vmem>> -> memref<1x128x128xf32, #tpu.memory_space<vmem>>
        %dma_wait3A_390 = tpu.memref_squeeze %dma_wait3A_389 : memref<1x128x128xf32, #tpu.memory_space<vmem>> -> memref<128x128xf32, #tpu.memory_space<vmem>>
        %dma_wait3A_391 = arith.constant 0 : i32
        %dma_wait3A_392 = tpu.memref_slice %arg8[%dma_wait3A_386, %sub3A_385, %dma_wait3A_391] : memref<2x80x128xi32, #tpu.memory_space<vmem>> -> memref<1x1x128xi32, #tpu.memory_space<vmem>>
        %dma_wait3A_393 = tpu.memref_squeeze %dma_wait3A_392 : memref<1x1x128xi32, #tpu.memory_space<vmem>> -> memref<128xi32, #tpu.memory_space<vmem>>
        %dma_wait3A_394 = arith.constant 0 : i32
        %dma_wait3A_395 = arith.constant 0 : i32
        %dma_wait3A_396 = tpu.memref_slice %arg11[%dma_wait3A_394, %dma_wait3A_395] : memref<5120x128xf32, #tpu.memory_space<vmem_shared>> -> memref<5120x128xf32, #tpu.memory_space<vmem_shared>>
        %dma_wait3A_397 = tpu.memref_slice %arg14[%rem3A_383] : memref<3x!tpu.dma_semaphore, #tpu.memory_space<semaphore_mem>> -> memref<1x!tpu.dma_semaphore, #tpu.memory_space<semaphore_mem>>
        %dma_wait3A_398 = tpu.memref_squeeze %dma_wait3A_397 : memref<1x!tpu.dma_semaphore, #tpu.memory_space<semaphore_mem>> -> memref<!tpu.dma_semaphore, #tpu.memory_space<semaphore_mem>>
        tpu.wait_indirect_dma semaphore(%dma_wait3A_398 : memref<!tpu.dma_semaphore, #tpu.memory_space<semaphore_mem>>) src(%dma_wait3A_390 : memref<128x128xf32, #tpu.memory_space<vmem>>) dst(%dma_wait3A_396 : memref<5120x128xf32, #tpu.memory_space<vmem_shared>>)
      } else {
      }
      %add3A_309 = arith.constant 2 : i32
      %add3A_310 = arith.addi %while3A_301, %add3A_309 : i32
      %lt3A = arith.cmpi slt, %add3A_310, %select_n3A : i32
      %convert_element_type3A_311 = arith.extui %lt3A : i1 to i32
      %cond3A_312 = arith.constant 0 : i32
      %cond3A_313 = arith.cmpi ne, %convert_element_type3A_311, %cond3A_312 : i32
      scf.if %cond3A_313 {
        %add3A_380 = arith.constant 2 : i32
        %add3A_381 = arith.addi %while3A_301, %add3A_380 : i32
        %add3A_382 = arith.constant 2 : i32
        %add3A_383 = arith.addi %while3A_301, %add3A_382 : i32
        %rem3A_384 = arith.constant 3 : i32
        %rem3A_385 = arith.remsi %add3A_383, %rem3A_384 : i32
        %dma_start3A_386 = arith.constant 0 : i32
        %dma_start3A_387 = arith.constant 0 : i32
        %dma_start3A_388 = arith.constant 0 : i32
        %dma_start3A_389 = tpu.memref_slice %arg9[%rem3A_385, %dma_start3A_387, %dma_start3A_388] : memref<3x128x128xf32, #tpu.memory_space<vmem>> -> memref<1x128x128xf32, #tpu.memory_space<vmem>>
        %dma_start3A_390 = tpu.memref_squeeze %dma_start3A_389 : memref<1x128x128xf32, #tpu.memory_space<vmem>> -> memref<128x128xf32, #tpu.memory_space<vmem>>
        %dma_start3A_391 = arith.constant 0 : i32
        %dma_start3A_392 = tpu.memref_slice %arg8[%dma_start3A_386, %add3A_381, %dma_start3A_391] : memref<2x80x128xi32, #tpu.memory_space<vmem>> -> memref<1x1x128xi32, #tpu.memory_space<vmem>>
        %dma_start3A_393 = tpu.memref_squeeze %dma_start3A_392 : memref<1x1x128xi32, #tpu.memory_space<vmem>> -> memref<128xi32, #tpu.memory_space<vmem>>
        %dma_start3A_394 = arith.constant 0 : i32
        %dma_start3A_395 = arith.constant 0 : i32
        %dma_start3A_396 = tpu.memref_slice %arg2[%dma_start3A_394, %dma_start3A_395] : memref<10000x128xf32, #tpu.memory_space<hbm>> -> memref<10000x128xf32, #tpu.memory_space<hbm>>
        %dma_start3A_397 = tpu.memref_slice %arg13[%rem3A_385] : memref<3x!tpu.dma_semaphore, #tpu.memory_space<semaphore_mem>> -> memref<1x!tpu.dma_semaphore, #tpu.memory_space<semaphore_mem>>
        %dma_start3A_398 = tpu.memref_squeeze %dma_start3A_397 : memref<1x!tpu.dma_semaphore, #tpu.memory_space<semaphore_mem>> -> memref<!tpu.dma_semaphore, #tpu.memory_space<semaphore_mem>>
        tpu.enqueue_indirect_dma source(%dma_start3A_396 : memref<10000x128xf32, #tpu.memory_space<hbm>>) target(%dma_start3A_390 : memref<128x128xf32, #tpu.memory_space<vmem>>) offsets(%dma_start3A_393 : memref<128xi32, #tpu.memory_space<vmem>>) semaphore(%dma_start3A_398 : memref<!tpu.dma_semaphore, #tpu.memory_space<semaphore_mem>>)
      } else {
      }
      %get3A = arith.constant 1 : i32
      %get3A_314 = arith.index_cast %get3A : i32 to index
      %get3A_315 = arith.index_cast %while3A_301 : i32 to index
      %get3A_316 = arith.constant 0 : index
      %get3A_317 = tpu.vector_load %arg8[%get3A_314, %get3A_315, %get3A_316] {strides = array<i32>} : memref<2x80x128xi32, #tpu.memory_space<vmem>>, vector<16xi32>,
      tpu.vector_store_idx %arg10[%get3A_317], %broadcast_in_dim3A_251 {add = true} : memref<5120xf32, #tpu.memory_space<vmem>>[vector<16xi32>], vector<16xf32>,
      %get3A_318 = arith.constant 1 : i32
      %get3A_319 = arith.index_cast %get3A_318 : i32 to index
      %get3A_320 = arith.index_cast %while3A_301 : i32 to index
      %get3A_321 = arith.constant 16 : index
      %get3A_322 = tpu.vector_load %arg8[%get3A_319, %get3A_320, %get3A_321] {strides = array<i32>} : memref<2x80x128xi32, #tpu.memory_space<vmem>>, vector<16xi32>,
      tpu.vector_store_idx %arg10[%get3A_322], %broadcast_in_dim3A_251 {add = true} : memref<5120xf32, #tpu.memory_space<vmem>>[vector<16xi32>], vector<16xf32>,
      %get3A_323 = arith.constant 1 : i32
      %get3A_324 = arith.index_cast %get3A_323 : i32 to index
      %get3A_325 = arith.index_cast %while3A_301 : i32 to index
      %get3A_326 = arith.constant 32 : index
      %get3A_327 = tpu.vector_load %arg8[%get3A_324, %get3A_325, %get3A_326] {strides = array<i32>} : memref<2x80x128xi32, #tpu.memory_space<vmem>>, vector<16xi32>,
      tpu.vector_store_idx %arg10[%get3A_327], %broadcast_in_dim3A_251 {add = true} : memref<5120xf32, #tpu.memory_space<vmem>>[vector<16xi32>], vector<16xf32>,
      %get3A_328 = arith.constant 1 : i32
      %get3A_329 = arith.index_cast %get3A_328 : i32 to index
      %get3A_330 = arith.index_cast %while3A_301 : i32 to index
      %get3A_331 = arith.constant 48 : index
      %get3A_332 = tpu.vector_load %arg8[%get3A_329, %get3A_330, %get3A_331] {strides = array<i32>} : memref<2x80x128xi32, #tpu.memory_space<vmem>>, vector<16xi32>,
      tpu.vector_store_idx %arg10[%get3A_332], %broadcast_in_dim3A_251 {add = true} : memref<5120xf32, #tpu.memory_space<vmem>>[vector<16xi32>], vector<16xf32>,
      %get3A_333 = arith.constant 1 : i32
      %get3A_334 = arith.index_cast %get3A_333 : i32 to index
      %get3A_335 = arith.index_cast %while3A_301 : i32 to index
      %get3A_336 = arith.constant 64 : index
      %get3A_337 = tpu.vector_load %arg8[%get3A_334, %get3A_335, %get3A_336] {strides = array<i32>} : memref<2x80x128xi32, #tpu.memory_space<vmem>>, vector<16xi32>,
      tpu.vector_store_idx %arg10[%get3A_337], %broadcast_in_dim3A_251 {add = true} : memref<5120xf32, #tpu.memory_space<vmem>>[vector<16xi32>], vector<16xf32>,
      %get3A_338 = arith.constant 1 : i32
      %get3A_339 = arith.index_cast %get3A_338 : i32 to index
      %get3A_340 = arith.index_cast %while3A_301 : i32 to index
      %get3A_341 = arith.constant 80 : index
      %get3A_342 = tpu.vector_load %arg8[%get3A_339, %get3A_340, %get3A_341] {strides = array<i32>} : memref<2x80x128xi32, #tpu.memory_space<vmem>>, vector<16xi32>,
      tpu.vector_store_idx %arg10[%get3A_342], %broadcast_in_dim3A_251 {add = true} : memref<5120xf32, #tpu.memory_space<vmem>>[vector<16xi32>], vector<16xf32>,
      %get3A_343 = arith.constant 1 : i32
      %get3A_344 = arith.index_cast %get3A_343 : i32 to index
      %get3A_345 = arith.index_cast %while3A_301 : i32 to index
      %get3A_346 = arith.constant 96 : index
      %get3A_347 = tpu.vector_load %arg8[%get3A_344, %get3A_345, %get3A_346] {strides = array<i32>} : memref<2x80x128xi32, #tpu.memory_space<vmem>>, vector<16xi32>,
      tpu.vector_store_idx %arg10[%get3A_347], %broadcast_in_dim3A_251 {add = true} : memref<5120xf32, #tpu.memory_space<vmem>>[vector<16xi32>], vector<16xf32>,
      %get3A_348 = arith.constant 1 : i32
      %get3A_349 = arith.index_cast %get3A_348 : i32 to index
      %get3A_350 = arith.index_cast %while3A_301 : i32 to index
      %get3A_351 = arith.constant 112 : index
      %get3A_352 = tpu.vector_load %arg8[%get3A_349, %get3A_350, %get3A_351] {strides = array<i32>} : memref<2x80x128xi32, #tpu.memory_space<vmem>>, vector<16xi32>,
      tpu.vector_store_idx %arg10[%get3A_352], %broadcast_in_dim3A_251 {add = true} : memref<5120xf32, #tpu.memory_space<vmem>>[vector<16xi32>], vector<16xf32>,
      %dma_wait3A_353 = arith.constant 0 : i32
      %dma_wait3A_354 = arith.constant 0 : i32
      %dma_wait3A_355 = arith.constant 0 : i32
      %dma_wait3A_356 = tpu.memref_slice %arg9[%rem3A_304, %dma_wait3A_354, %dma_wait3A_355] : memref<3x128x128xf32, #tpu.memory_space<vmem>> -> memref<1x128x128xf32, #tpu.memory_space<vmem>>
      %dma_wait3A_357 = tpu.memref_squeeze %dma_wait3A_356 : memref<1x128x128xf32, #tpu.memory_space<vmem>> -> memref<128x128xf32, #tpu.memory_space<vmem>>
      %dma_wait3A_358 = arith.constant 0 : i32
      %dma_wait3A_359 = tpu.memref_slice %arg8[%dma_wait3A_353, %while3A_301, %dma_wait3A_358] : memref<2x80x128xi32, #tpu.memory_space<vmem>> -> memref<1x1x128xi32, #tpu.memory_space<vmem>>
      %dma_wait3A_360 = tpu.memref_squeeze %dma_wait3A_359 : memref<1x1x128xi32, #tpu.memory_space<vmem>> -> memref<128xi32, #tpu.memory_space<vmem>>
      %dma_wait3A_361 = arith.constant 0 : i32
      %dma_wait3A_362 = arith.constant 0 : i32
      %dma_wait3A_363 = tpu.memref_slice %arg2[%dma_wait3A_361, %dma_wait3A_362] : memref<10000x128xf32, #tpu.memory_space<hbm>> -> memref<10000x128xf32, #tpu.memory_space<hbm>>
      %dma_wait3A_364 = tpu.memref_slice %arg13[%rem3A_304] : memref<3x!tpu.dma_semaphore, #tpu.memory_space<semaphore_mem>> -> memref<1x!tpu.dma_semaphore, #tpu.memory_space<semaphore_mem>>
      %dma_wait3A_365 = tpu.memref_squeeze %dma_wait3A_364 : memref<1x!tpu.dma_semaphore, #tpu.memory_space<semaphore_mem>> -> memref<!tpu.dma_semaphore, #tpu.memory_space<semaphore_mem>>
      tpu.wait_indirect_dma semaphore(%dma_wait3A_365 : memref<!tpu.dma_semaphore, #tpu.memory_space<semaphore_mem>>) src(%dma_wait3A_363 : memref<10000x128xf32, #tpu.memory_space<hbm>>) dst(%dma_wait3A_357 : memref<128x128xf32, #tpu.memory_space<vmem>>)
      %dma_start3A_366 = arith.constant 1 : i32
      %dma_start3A_367 = arith.constant 0 : i32
      %dma_start3A_368 = arith.constant 0 : i32
      %dma_start3A_369 = tpu.memref_slice %arg9[%rem3A_304, %dma_start3A_367, %dma_start3A_368] : memref<3x128x128xf32, #tpu.memory_space<vmem>> -> memref<1x128x128xf32, #tpu.memory_space<vmem>>
      %dma_start3A_370 = tpu.memref_squeeze %dma_start3A_369 : memref<1x128x128xf32, #tpu.memory_space<vmem>> -> memref<128x128xf32, #tpu.memory_space<vmem>>
      %dma_start3A_371 = arith.constant 0 : i32
      %dma_start3A_372 = tpu.memref_slice %arg8[%dma_start3A_366, %while3A_301, %dma_start3A_371] : memref<2x80x128xi32, #tpu.memory_space<vmem>> -> memref<1x1x128xi32, #tpu.memory_space<vmem>>
      %dma_start3A_373 = tpu.memref_squeeze %dma_start3A_372 : memref<1x1x128xi32, #tpu.memory_space<vmem>> -> memref<128xi32, #tpu.memory_space<vmem>>
      %dma_start3A_374 = arith.constant 0 : i32
      %dma_start3A_375 = arith.constant 0 : i32
      %dma_start3A_376 = tpu.memref_slice %arg11[%dma_start3A_374, %dma_start3A_375] : memref<5120x128xf32, #tpu.memory_space<vmem_shared>> -> memref<5120x128xf32, #tpu.memory_space<vmem_shared>>
      %dma_start3A_377 = tpu.memref_slice %arg14[%rem3A_304] : memref<3x!tpu.dma_semaphore, #tpu.memory_space<semaphore_mem>> -> memref<1x!tpu.dma_semaphore, #tpu.memory_space<semaphore_mem>>
      %dma_start3A_378 = tpu.memref_squeeze %dma_start3A_377 : memref<1x!tpu.dma_semaphore, #tpu.memory_space<semaphore_mem>> -> memref<!tpu.dma_semaphore, #tpu.memory_space<semaphore_mem>>
      tpu.enqueue_indirect_dma source(%dma_start3A_370 : memref<128x128xf32, #tpu.memory_space<vmem>>) target(%dma_start3A_376 : memref<5120x128xf32, #tpu.memory_space<vmem_shared>>) offsets(%dma_start3A_373 : memref<128xi32, #tpu.memory_space<vmem>>) semaphore(%dma_start3A_378 : memref<!tpu.dma_semaphore, #tpu.memory_space<semaphore_mem>>) {add = true}
      %while3A_379 = arith.constant 0 : i32
      scf.yield %while3A_379 : i32
    }
    %sub3A_281 = arith.constant 1 : i32
    %sub3A_282 = arith.subi %select_n3A, %sub3A_281 : i32
    %rem3A_283 = arith.constant 3 : i32
    %rem3A_284 = arith.remsi %sub3A_282, %rem3A_283 : i32
    %sub3A_285 = arith.constant 1 : i32
    %sub3A_286 = arith.subi %select_n3A, %sub3A_285 : i32
    %dma_wait3A_287 = arith.constant 1 : i32
    %dma_wait3A_288 = arith.constant 0 : i32
    %dma_wait3A_289 = arith.constant 0 : i32
    %dma_wait3A_290 = tpu.memref_slice %arg9[%rem3A_284, %dma_wait3A_288, %dma_wait3A_289] : memref<3x128x128xf32, #tpu.memory_space<vmem>> -> memref<1x128x128xf32, #tpu.memory_space<vmem>>
    %dma_wait3A_291 = tpu.memref_squeeze %dma_wait3A_290 : memref<1x128x128xf32, #tpu.memory_space<vmem>> -> memref<128x128xf32, #tpu.memory_space<vmem>>
    %dma_wait3A_292 = arith.constant 0 : i32
    %dma_wait3A_293 = tpu.memref_slice %arg8[%dma_wait3A_287, %sub3A_286, %dma_wait3A_292] : memref<2x80x128xi32, #tpu.memory_space<vmem>> -> memref<1x1x128xi32, #tpu.memory_space<vmem>>
    %dma_wait3A_294 = tpu.memref_squeeze %dma_wait3A_293 : memref<1x1x128xi32, #tpu.memory_space<vmem>> -> memref<128xi32, #tpu.memory_space<vmem>>
    %dma_wait3A_295 = arith.constant 0 : i32
    %dma_wait3A_296 = arith.constant 0 : i32
    %dma_wait3A_297 = tpu.memref_slice %arg11[%dma_wait3A_295, %dma_wait3A_296] : memref<5120x128xf32, #tpu.memory_space<vmem_shared>> -> memref<5120x128xf32, #tpu.memory_space<vmem_shared>>
    %dma_wait3A_298 = tpu.memref_slice %arg14[%rem3A_284] : memref<3x!tpu.dma_semaphore, #tpu.memory_space<semaphore_mem>> -> memref<1x!tpu.dma_semaphore, #tpu.memory_space<semaphore_mem>>
    %dma_wait3A_299 = tpu.memref_squeeze %dma_wait3A_298 : memref<1x!tpu.dma_semaphore, #tpu.memory_space<semaphore_mem>> -> memref<!tpu.dma_semaphore, #tpu.memory_space<semaphore_mem>>
    tpu.wait_indirect_dma semaphore(%dma_wait3A_299 : memref<!tpu.dma_semaphore, #tpu.memory_space<semaphore_mem>>) src(%dma_wait3A_291 : memref<128x128xf32, #tpu.memory_space<vmem>>) dst(%dma_wait3A_297 : memref<5120x128xf32, #tpu.memory_space<vmem_shared>>)
    %barrier3A_300 = arith.constant 0 : index
    tpu.barrier barrier_id(%barrier3A_300)
    "tpu.region"() ({
      %run_scoped3A = tpu.sem_alloc : memref<!tpu.dma_semaphore, #tpu.memory_space<semaphore_mem>>
      %dma_start3A_301 = arith.constant 0 : i32
      %dma_start3A_302 = tpu.memref_slice %arg6[%arg0, %mul3A_2, %dma_start3A_301] : memref<2x5120x128xf32, #tpu.memory_space<hbm>> -> memref<1x320x128xf32, #tpu.memory_space<hbm>>
      %dma_start3A_303 = tpu.memref_squeeze %dma_start3A_302 : memref<1x320x128xf32, #tpu.memory_space<hbm>> -> memref<320x128xf32, #tpu.memory_space<hbm>>
      %dma_start3A_304 = arith.constant 0 : i32
      %dma_start3A_305 = tpu.memref_slice %arg11[%mul3A_2, %dma_start3A_304] : memref<5120x128xf32, #tpu.memory_space<vmem_shared>> -> memref<320x128xf32, #tpu.memory_space<vmem_shared>>
      tpu.enqueue_dma source(%dma_start3A_305 : memref<320x128xf32, #tpu.memory_space<vmem_shared>>) target(%dma_start3A_303 : memref<320x128xf32, #tpu.memory_space<hbm>>) target_semaphore(%run_scoped3A : memref<!tpu.dma_semaphore, #tpu.memory_space<semaphore_mem>>)
      %dma_wait3A_306 = arith.constant 0 : i32
      %dma_wait3A_307 = tpu.memref_slice %arg6[%arg0, %mul3A_2, %dma_wait3A_306] : memref<2x5120x128xf32, #tpu.memory_space<hbm>> -> memref<1x320x128xf32, #tpu.memory_space<hbm>>
      %dma_wait3A_308 = tpu.memref_squeeze %dma_wait3A_307 : memref<1x320x128xf32, #tpu.memory_space<hbm>> -> memref<320x128xf32, #tpu.memory_space<hbm>>
      %dma_wait3A_309 = arith.constant 0 : i32
      %dma_wait3A_310 = tpu.memref_slice %arg11[%mul3A_2, %dma_wait3A_309] : memref<5120x128xf32, #tpu.memory_space<vmem_shared>> -> memref<320x128xf32, #tpu.memory_space<vmem_shared>>
      tpu.wait_dma2 semaphore(%run_scoped3A : memref<!tpu.dma_semaphore, #tpu.memory_space<semaphore_mem>>) src(%dma_wait3A_310 : memref<320x128xf32, #tpu.memory_space<vmem_shared>>) dst(%dma_wait3A_308 : memref<320x128xf32, #tpu.memory_space<hbm>>)
      tpu.yield
    }) : () -> ()
    "tpu.region"() ({
      %run_scoped3A = tpu.sem_alloc : memref<!tpu.dma_semaphore, #tpu.memory_space<semaphore_mem>>
      %dma_start3A_301 = arith.constant 0 : i32
      %dma_start3A_302 = tpu.memref_slice %arg7[%arg0, %arg1, %dma_start3A_301] : memref<2x16x5120xf32, #tpu.memory_space<hbm>> -> memref<1x1x5120xf32, #tpu.memory_space<hbm>>
      %dma_start3A_303 = tpu.memref_squeeze %dma_start3A_302 : memref<1x1x5120xf32, #tpu.memory_space<hbm>> -> memref<5120xf32, #tpu.memory_space<hbm>>
      %dma_start3A_304 = arith.constant 0 : i32
      %dma_start3A_305 = tpu.memref_slice %arg7[%arg0, %arg1, %dma_start3A_304] : memref<2x16x5120xf32, #tpu.memory_space<hbm>> -> memref<1x1x5120xf32, #tpu.memory_space<hbm>>
      %dma_start3A_306 = tpu.memref_squeeze %dma_start3A_305 : memref<1x1x5120xf32, #tpu.memory_space<hbm>> -> memref<5120xf32, #tpu.memory_space<hbm>>
      tpu.enqueue_dma source(%arg10 : memref<5120xf32, #tpu.memory_space<vmem>>) target(%dma_start3A_306 : memref<5120xf32, #tpu.memory_space<hbm>>) target_semaphore(%run_scoped3A : memref<!tpu.dma_semaphore, #tpu.memory_space<semaphore_mem>>)
      %dma_wait3A_307 = arith.constant 0 : i32
      %dma_wait3A_308 = tpu.memref_slice %arg7[%arg0, %arg1, %dma_wait3A_307] : memref<2x16x5120xf32, #tpu.memory_space<hbm>> -> memref<1x1x5120xf32, #tpu.memory_space<hbm>>
      %dma_wait3A_309 = tpu.memref_squeeze %dma_wait3A_308 : memref<1x1x5120xf32, #tpu.memory_space<hbm>> -> memref<5120xf32, #tpu.memory_space<hbm>>
      %dma_wait3A_310 = arith.constant 0 : i32
      %dma_wait3A_311 = tpu.memref_slice %arg7[%arg0, %arg1, %dma_wait3A_310] : memref<2x16x5120xf32, #tpu.memory_space<hbm>> -> memref<1x1x5120xf32, #tpu.memory_space<hbm>>
      %dma_wait3A_312 = tpu.memref_squeeze %dma_wait3A_311 : memref<1x1x5120xf32, #tpu.memory_space<hbm>> -> memref<5120xf32, #tpu.memory_space<hbm>>
      tpu.wait_dma2 semaphore(%run_scoped3A : memref<!tpu.dma_semaphore, #tpu.memory_space<semaphore_mem>>) src(%arg10 : memref<5120xf32, #tpu.memory_space<vmem>>) dst(%dma_wait3A_312 : memref<5120xf32, #tpu.memory_space<hbm>>)
      tpu.yield
    }) : () -> ()
    return
  }
}

#map = affine_map<(d0, d1) -> (0, 0)>
#map1 = affine_map<(d0, d1) -> (0, 0, 0)>
module attributes {stable_mosaic.version = 14 : i64} {
  func.func @_seg_body(%arg0: i32, %arg1: i32, %arg2: memref<5000x128xf32, #tpu.memory_space<hbm>>, %arg3: memref<625x128xi32, #tpu.memory_space<hbm>>, %arg4: memref<625x128xi32, #tpu.memory_space<hbm>>, %arg5: memref<1024x128xf32, #tpu.memory_space<hbm>>, %arg6: memref<2x1024x128xf32, #tpu.memory_space<hbm>>, %arg7: memref<2x16x1024xf32, #tpu.memory_space<hbm>>, %arg8: memref<2x32x128xi32, #tpu.memory_space<vmem>>, %arg9: memref<3x128x128xf32, #tpu.memory_space<vmem>>, %arg10: memref<1024xf32, #tpu.memory_space<vmem>>, %arg11: memref<1024x128xf32, #tpu.memory_space<vmem_shared>>, %arg12: memref<!tpu.dma_semaphore, #tpu.memory_space<semaphore_mem>>, %arg13: memref<3x!tpu.dma_semaphore, #tpu.memory_space<semaphore_mem>>, %arg14: memref<3x!tpu.dma_semaphore, #tpu.memory_space<semaphore_mem>>) attributes {dimension_semantics = [#tpu.dimension_semantics<core_parallel>, #tpu.dimension_semantics<subcore_parallel>], iteration_bounds = array<i64: 2, 16>, scalar_prefetch = 0 : i64, scratch_operands = 7 : i64, tpu.core_type = #tpu.core_type<sc_vector_subcore>, window_params = [{transform_indices = #map}, {transform_indices = #map}, {transform_indices = #map}, {transform_indices = #map}, {transform_indices = #map1}, {transform_indices = #map1}]} {
    %mul3A = arith.constant 2 : i32
    %mul3A_0 = arith.muli %arg1, %mul3A : i32
    %add3A = arith.addi %mul3A_0, %arg0 : i32
    %mul3A_1 = arith.constant 64 : i32
    %mul3A_2 = arith.muli %arg1, %mul3A_1 : i32
    %sub3A = arith.constant 625 : i32
    %sub3A_3 = arith.subi %sub3A, %add3A : i32
    %add3A_4 = arith.constant 32 : i32
    %add3A_5 = arith.addi %sub3A_3, %add3A_4 : i32
    %sub3A_6 = arith.constant 1 : i32
    %sub3A_7 = arith.subi %add3A_5, %sub3A_6 : i32
    %jit3A = arith.constant 32 : i32
    %div3A = arith.divsi %sub3A_7, %jit3A : i32
    %sign3A = arith.constant 0 : i32
    %sign3A_8 = arith.cmpi sgt, %sub3A_7, %sign3A : i32
    %sign3A_9 = arith.extui %sign3A_8 : i1 to i32
    %sign3A_10 = arith.constant 0 : i32
    %sign3A_11 = arith.cmpi slt, %sub3A_7, %sign3A_10 : i32
    %sign3A_12 = arith.extui %sign3A_11 : i1 to i32
    %sign3A_13 = arith.subi %sign3A_9, %sign3A_12 : i32
    %sign3A_14 = arith.constant 0 : i32
    %sign3A_15 = arith.cmpi sgt, %jit3A, %sign3A_14 : i32
    %sign3A_16 = arith.extui %sign3A_15 : i1 to i32
    %sign3A_17 = arith.constant 0 : i32
    %sign3A_18 = arith.cmpi slt, %jit3A, %sign3A_17 : i32
    %sign3A_19 = arith.extui %sign3A_18 : i1 to i32
    %sign3A_20 = arith.subi %sign3A_16, %sign3A_19 : i32
    %ne3A = arith.cmpi ne, %sign3A_13, %sign3A_20 : i32
    %rem3A = arith.remsi %sub3A_7, %jit3A : i32
    %ne3A_21 = arith.constant 0 : i32
    %ne3A_22 = arith.cmpi ne, %rem3A, %ne3A_21 : i32
    %and3A = arith.andi %ne3A, %ne3A_22 : i1
    %sub3A_23 = arith.constant 1 : i32
    %sub3A_24 = arith.subi %div3A, %sub3A_23 : i32
    %select_n3A = arith.select %and3A, %sub3A_24, %div3A : i32
    %dma_start3A = arith.constant 0 : i32
    %dma_start3A_25 = tpu.memref_slice %arg11[%mul3A_2, %dma_start3A] : memref<1024x128xf32, #tpu.memory_space<vmem_shared>> -> memref<64x128xf32, #tpu.memory_space<vmem_shared>>
    %dma_start3A_26 = arith.constant 0 : i32
    %dma_start3A_27 = tpu.memref_slice %arg5[%mul3A_2, %dma_start3A_26] : memref<1024x128xf32, #tpu.memory_space<hbm>> -> memref<64x128xf32, #tpu.memory_space<hbm>>
    tpu.enqueue_dma source(%dma_start3A_27 : memref<64x128xf32, #tpu.memory_space<hbm>>) target(%dma_start3A_25 : memref<64x128xf32, #tpu.memory_space<vmem_shared>>) target_semaphore(%arg12 : memref<!tpu.dma_semaphore, #tpu.memory_space<semaphore_mem>>)
    %iota3A = tpu.iota {dimensions = array<i32: 0>} : vector<16xi32>
    %sub3A_28 = arith.constant 1 : i32
    %sub3A_29 = arith.subi %select_n3A, %sub3A_28 : i32
    %mul3A_30 = arith.constant 32 : i32
    %mul3A_31 = arith.muli %sub3A_29, %mul3A_30 : i32
    %add3A_32 = arith.addi %mul3A_31, %add3A : i32
    %add3A_33 = arith.constant 0 : i32
    %add3A_34 = vector.broadcast %add3A_33 : i32 to vector<16xi32>
    %add3A_35 = arith.addi %add3A_34, %iota3A : vector<16xi32>
    %mul3A_36 = arith.constant 32 : i32
    %mul3A_37 = vector.broadcast %mul3A_36 : i32 to vector<16xi32>
    %mul3A_38 = arith.muli %add3A_35, %mul3A_37 : vector<16xi32>
    %add3A_39 = vector.broadcast %add3A : i32 to vector<16xi32>
    %add3A_40 = arith.addi %mul3A_38, %add3A_39 : vector<16xi32>
    %min3A = vector.broadcast %add3A_32 : i32 to vector<16xi32>
    %min3A_41 = arith.minsi %add3A_40, %min3A : vector<16xi32>
    %dma_start3A_42 = arith.constant 0 : i32
    %dma_start3A_43 = arith.constant 0 : i32
    %dma_start3A_44 = arith.constant 0 : i32
    %dma_start3A_45 = tpu.memref_slice %arg8[%dma_start3A_42, %dma_start3A_43, %dma_start3A_44] : memref<2x32x128xi32, #tpu.memory_space<vmem>> -> memref<1x16x128xi32, #tpu.memory_space<vmem>>
    %dma_start3A_46 = tpu.memref_squeeze %dma_start3A_45 : memref<1x16x128xi32, #tpu.memory_space<vmem>> -> memref<16x128xi32, #tpu.memory_space<vmem>>
    %dma_start3A_47 = arith.constant 0 : i32
    %dma_start3A_48 = arith.constant 0 : i32
    %dma_start3A_49 = tpu.memref_slice %arg3[%dma_start3A_47, %dma_start3A_48] : memref<625x128xi32, #tpu.memory_space<hbm>> -> memref<625x128xi32, #tpu.memory_space<hbm>>
    tpu.enqueue_indirect_dma source(%dma_start3A_49 : memref<625x128xi32, #tpu.memory_space<hbm>>) target(%dma_start3A_46 : memref<16x128xi32, #tpu.memory_space<vmem>>) offsets(%min3A_41 : vector<16xi32>) semaphore(%arg12 : memref<!tpu.dma_semaphore, #tpu.memory_space<semaphore_mem>>)
    %dma_start3A_50 = arith.constant 1 : i32
    %dma_start3A_51 = arith.constant 0 : i32
    %dma_start3A_52 = arith.constant 0 : i32
    %dma_start3A_53 = tpu.memref_slice %arg8[%dma_start3A_50, %dma_start3A_51, %dma_start3A_52] : memref<2x32x128xi32, #tpu.memory_space<vmem>> -> memref<1x16x128xi32, #tpu.memory_space<vmem>>
    %dma_start3A_54 = tpu.memref_squeeze %dma_start3A_53 : memref<1x16x128xi32, #tpu.memory_space<vmem>> -> memref<16x128xi32, #tpu.memory_space<vmem>>
    %dma_start3A_55 = arith.constant 0 : i32
    %dma_start3A_56 = arith.constant 0 : i32
    %dma_start3A_57 = tpu.memref_slice %arg4[%dma_start3A_55, %dma_start3A_56] : memref<625x128xi32, #tpu.memory_space<hbm>> -> memref<625x128xi32, #tpu.memory_space<hbm>>
    tpu.enqueue_indirect_dma source(%dma_start3A_57 : memref<625x128xi32, #tpu.memory_space<hbm>>) target(%dma_start3A_54 : memref<16x128xi32, #tpu.memory_space<vmem>>) offsets(%min3A_41 : vector<16xi32>) semaphore(%arg12 : memref<!tpu.dma_semaphore, #tpu.memory_space<semaphore_mem>>)
    %add3A_58 = arith.constant 16 : i32
    %add3A_59 = vector.broadcast %add3A_58 : i32 to vector<16xi32>
    %add3A_60 = arith.addi %add3A_59, %iota3A : vector<16xi32>
    %mul3A_61 = arith.constant 32 : i32
    %mul3A_62 = vector.broadcast %mul3A_61 : i32 to vector<16xi32>
    %mul3A_63 = arith.muli %add3A_60, %mul3A_62 : vector<16xi32>
    %add3A_64 = vector.broadcast %add3A : i32 to vector<16xi32>
    %add3A_65 = arith.addi %mul3A_63, %add3A_64 : vector<16xi32>
    %min3A_66 = vector.broadcast %add3A_32 : i32 to vector<16xi32>
    %min3A_67 = arith.minsi %add3A_65, %min3A_66 : vector<16xi32>
    %dma_start3A_68 = arith.constant 0 : i32
    %dma_start3A_69 = arith.constant 16 : i32
    %dma_start3A_70 = arith.constant 0 : i32
    %dma_start3A_71 = tpu.memref_slice %arg8[%dma_start3A_68, %dma_start3A_69, %dma_start3A_70] : memref<2x32x128xi32, #tpu.memory_space<vmem>> -> memref<1x16x128xi32, #tpu.memory_space<vmem>>
    %dma_start3A_72 = tpu.memref_squeeze %dma_start3A_71 : memref<1x16x128xi32, #tpu.memory_space<vmem>> -> memref<16x128xi32, #tpu.memory_space<vmem>>
    %dma_start3A_73 = arith.constant 0 : i32
    %dma_start3A_74 = arith.constant 0 : i32
    %dma_start3A_75 = tpu.memref_slice %arg3[%dma_start3A_73, %dma_start3A_74] : memref<625x128xi32, #tpu.memory_space<hbm>> -> memref<625x128xi32, #tpu.memory_space<hbm>>
    tpu.enqueue_indirect_dma source(%dma_start3A_75 : memref<625x128xi32, #tpu.memory_space<hbm>>) target(%dma_start3A_72 : memref<16x128xi32, #tpu.memory_space<vmem>>) offsets(%min3A_67 : vector<16xi32>) semaphore(%arg12 : memref<!tpu.dma_semaphore, #tpu.memory_space<semaphore_mem>>)
    %dma_start3A_76 = arith.constant 1 : i32
    %dma_start3A_77 = arith.constant 16 : i32
    %dma_start3A_78 = arith.constant 0 : i32
    %dma_start3A_79 = tpu.memref_slice %arg8[%dma_start3A_76, %dma_start3A_77, %dma_start3A_78] : memref<2x32x128xi32, #tpu.memory_space<vmem>> -> memref<1x16x128xi32, #tpu.memory_space<vmem>>
    %dma_start3A_80 = tpu.memref_squeeze %dma_start3A_79 : memref<1x16x128xi32, #tpu.memory_space<vmem>> -> memref<16x128xi32, #tpu.memory_space<vmem>>
    %dma_start3A_81 = arith.constant 0 : i32
    %dma_start3A_82 = arith.constant 0 : i32
    %dma_start3A_83 = tpu.memref_slice %arg4[%dma_start3A_81, %dma_start3A_82] : memref<625x128xi32, #tpu.memory_space<hbm>> -> memref<625x128xi32, #tpu.memory_space<hbm>>
    tpu.enqueue_indirect_dma source(%dma_start3A_83 : memref<625x128xi32, #tpu.memory_space<hbm>>) target(%dma_start3A_80 : memref<16x128xi32, #tpu.memory_space<vmem>>) offsets(%min3A_67 : vector<16xi32>) semaphore(%arg12 : memref<!tpu.dma_semaphore, #tpu.memory_space<semaphore_mem>>)
    %scan3A = arith.constant 0 : i32
    %scan3A_84 = arith.constant 0 : i32
    %scan3A_85 = arith.constant 64 : i32
    %scan3A_86 = arith.addi %scan3A_84, %scan3A_85 : i32
    %scan3A_87 = arith.constant 1 : i32
    %scan3A_88 = scf.for %scan3A_175 = %scan3A_84 to %scan3A_86 step %scan3A_87 iter_args(%scan3A_176 = %scan3A) -> (i32)  : i32 {
      %broadcast_in_dim3A_177 = arith.constant 0.000000e+00 : f32
      %broadcast_in_dim3A_178 = vector.broadcast %broadcast_in_dim3A_177 : f32 to vector<16xf32>
      %mul3A_179 = arith.constant 16 : i32
      %mul3A_180 = arith.muli %scan3A_175, %mul3A_179 : i32
      %swap3A = arith.index_cast %mul3A_180 : i32 to index
      %swap3A_181 = tpu.vector_load %arg10[%swap3A] {strides = array<i32>} : memref<1024xf32, #tpu.memory_space<vmem>>, vector<16xf32>,
      tpu.vector_store %arg10[%swap3A], %broadcast_in_dim3A_178 {strides = array<i32>} : memref<1024xf32, #tpu.memory_space<vmem>>, vector<16xf32>,
      %scan3A_182 = arith.constant 0 : i32
      scf.yield %scan3A_182 : i32
    }
    %scan3A_89 = arith.constant 64 : i32
    %dma_wait3A = arith.constant 0 : i32
    %dma_wait3A_90 = arith.constant 0 : i32
    %dma_wait3A_91 = arith.constant 0 : i32
    %dma_wait3A_92 = tpu.memref_slice %arg8[%dma_wait3A, %dma_wait3A_90, %dma_wait3A_91] : memref<2x32x128xi32, #tpu.memory_space<vmem>> -> memref<1x16x128xi32, #tpu.memory_space<vmem>>
    %dma_wait3A_93 = tpu.memref_squeeze %dma_wait3A_92 : memref<1x16x128xi32, #tpu.memory_space<vmem>> -> memref<16x128xi32, #tpu.memory_space<vmem>>
    %dma_wait3A_94 = arith.constant 0 : i32
    %dma_wait3A_95 = arith.constant 0 : i32
    %dma_wait3A_96 = tpu.memref_slice %arg3[%dma_wait3A_94, %dma_wait3A_95] : memref<625x128xi32, #tpu.memory_space<hbm>> -> memref<625x128xi32, #tpu.memory_space<hbm>>
    tpu.wait_indirect_dma semaphore(%arg12 : memref<!tpu.dma_semaphore, #tpu.memory_space<semaphore_mem>>) src(%dma_wait3A_96 : memref<625x128xi32, #tpu.memory_space<hbm>>) dst(%dma_wait3A_93 : memref<16x128xi32, #tpu.memory_space<vmem>>)
    %dma_wait3A_97 = arith.constant 1 : i32
    %dma_wait3A_98 = arith.constant 0 : i32
    %dma_wait3A_99 = arith.constant 0 : i32
    %dma_wait3A_100 = tpu.memref_slice %arg8[%dma_wait3A_97, %dma_wait3A_98, %dma_wait3A_99] : memref<2x32x128xi32, #tpu.memory_space<vmem>> -> memref<1x16x128xi32, #tpu.memory_space<vmem>>
    %dma_wait3A_101 = tpu.memref_squeeze %dma_wait3A_100 : memref<1x16x128xi32, #tpu.memory_space<vmem>> -> memref<16x128xi32, #tpu.memory_space<vmem>>
    %dma_wait3A_102 = arith.constant 0 : i32
    %dma_wait3A_103 = arith.constant 0 : i32
    %dma_wait3A_104 = tpu.memref_slice %arg4[%dma_wait3A_102, %dma_wait3A_103] : memref<625x128xi32, #tpu.memory_space<hbm>> -> memref<625x128xi32, #tpu.memory_space<hbm>>
    tpu.wait_indirect_dma semaphore(%arg12 : memref<!tpu.dma_semaphore, #tpu.memory_space<semaphore_mem>>) src(%dma_wait3A_104 : memref<625x128xi32, #tpu.memory_space<hbm>>) dst(%dma_wait3A_101 : memref<16x128xi32, #tpu.memory_space<vmem>>)
    %dma_wait3A_105 = arith.constant 0 : i32
    %dma_wait3A_106 = arith.constant 16 : i32
    %dma_wait3A_107 = arith.constant 0 : i32
    %dma_wait3A_108 = tpu.memref_slice %arg8[%dma_wait3A_105, %dma_wait3A_106, %dma_wait3A_107] : memref<2x32x128xi32, #tpu.memory_space<vmem>> -> memref<1x16x128xi32, #tpu.memory_space<vmem>>
    %dma_wait3A_109 = tpu.memref_squeeze %dma_wait3A_108 : memref<1x16x128xi32, #tpu.memory_space<vmem>> -> memref<16x128xi32, #tpu.memory_space<vmem>>
    %dma_wait3A_110 = arith.constant 0 : i32
    %dma_wait3A_111 = arith.constant 0 : i32
    %dma_wait3A_112 = tpu.memref_slice %arg3[%dma_wait3A_110, %dma_wait3A_111] : memref<625x128xi32, #tpu.memory_space<hbm>> -> memref<625x128xi32, #tpu.memory_space<hbm>>
    tpu.wait_indirect_dma semaphore(%arg12 : memref<!tpu.dma_semaphore, #tpu.memory_space<semaphore_mem>>) src(%dma_wait3A_112 : memref<625x128xi32, #tpu.memory_space<hbm>>) dst(%dma_wait3A_109 : memref<16x128xi32, #tpu.memory_space<vmem>>)
    %dma_wait3A_113 = arith.constant 1 : i32
    %dma_wait3A_114 = arith.constant 16 : i32
    %dma_wait3A_115 = arith.constant 0 : i32
    %dma_wait3A_116 = tpu.memref_slice %arg8[%dma_wait3A_113, %dma_wait3A_114, %dma_wait3A_115] : memref<2x32x128xi32, #tpu.memory_space<vmem>> -> memref<1x16x128xi32, #tpu.memory_space<vmem>>
    %dma_wait3A_117 = tpu.memref_squeeze %dma_wait3A_116 : memref<1x16x128xi32, #tpu.memory_space<vmem>> -> memref<16x128xi32, #tpu.memory_space<vmem>>
    %dma_wait3A_118 = arith.constant 0 : i32
    %dma_wait3A_119 = arith.constant 0 : i32
    %dma_wait3A_120 = tpu.memref_slice %arg4[%dma_wait3A_118, %dma_wait3A_119] : memref<625x128xi32, #tpu.memory_space<hbm>> -> memref<625x128xi32, #tpu.memory_space<hbm>>
    tpu.wait_indirect_dma semaphore(%arg12 : memref<!tpu.dma_semaphore, #tpu.memory_space<semaphore_mem>>) src(%dma_wait3A_120 : memref<625x128xi32, #tpu.memory_space<hbm>>) dst(%dma_wait3A_117 : memref<16x128xi32, #tpu.memory_space<vmem>>)
    %dma_wait3A_121 = arith.constant 0 : i32
    %dma_wait3A_122 = tpu.memref_slice %arg11[%mul3A_2, %dma_wait3A_121] : memref<1024x128xf32, #tpu.memory_space<vmem_shared>> -> memref<64x128xf32, #tpu.memory_space<vmem_shared>>
    %dma_wait3A_123 = arith.constant 0 : i32
    %dma_wait3A_124 = tpu.memref_slice %arg5[%mul3A_2, %dma_wait3A_123] : memref<1024x128xf32, #tpu.memory_space<hbm>> -> memref<64x128xf32, #tpu.memory_space<hbm>>
    tpu.wait_dma2 semaphore(%arg12 : memref<!tpu.dma_semaphore, #tpu.memory_space<semaphore_mem>>) src(%dma_wait3A_124 : memref<64x128xf32, #tpu.memory_space<hbm>>) dst(%dma_wait3A_122 : memref<64x128xf32, #tpu.memory_space<vmem_shared>>)
    %barrier3A = arith.constant 0 : index
    tpu.barrier barrier_id(%barrier3A)
    %broadcast_in_dim3A = arith.constant 1.000000e+00 : f32
    %broadcast_in_dim3A_125 = vector.broadcast %broadcast_in_dim3A : f32 to vector<16xf32>
    %dma_start3A_126 = arith.constant 0 : i32
    %dma_start3A_127 = arith.constant 0 : i32
    %dma_start3A_128 = arith.constant 0 : i32
    %dma_start3A_129 = arith.constant 0 : i32
    %dma_start3A_130 = arith.constant 0 : i32
    %dma_start3A_131 = arith.constant 0 : i32
    %dma_start3A_132 = tpu.memref_slice %arg9[%dma_start3A_128, %dma_start3A_130, %dma_start3A_131] : memref<3x128x128xf32, #tpu.memory_space<vmem>> -> memref<1x128x128xf32, #tpu.memory_space<vmem>>
    %dma_start3A_133 = tpu.memref_squeeze %dma_start3A_132 : memref<1x128x128xf32, #tpu.memory_space<vmem>> -> memref<128x128xf32, #tpu.memory_space<vmem>>
    %dma_start3A_134 = arith.constant 0 : i32
    %dma_start3A_135 = tpu.memref_slice %arg8[%dma_start3A_126, %dma_start3A_127, %dma_start3A_134] : memref<2x32x128xi32, #tpu.memory_space<vmem>> -> memref<1x1x128xi32, #tpu.memory_space<vmem>>
    %dma_start3A_136 = tpu.memref_squeeze %dma_start3A_135 : memref<1x1x128xi32, #tpu.memory_space<vmem>> -> memref<128xi32, #tpu.memory_space<vmem>>
    %dma_start3A_137 = arith.constant 0 : i32
    %dma_start3A_138 = arith.constant 0 : i32
    %dma_start3A_139 = tpu.memref_slice %arg2[%dma_start3A_137, %dma_start3A_138] : memref<5000x128xf32, #tpu.memory_space<hbm>> -> memref<5000x128xf32, #tpu.memory_space<hbm>>
    %dma_start3A_140 = tpu.memref_slice %arg13[%dma_start3A_129] : memref<3x!tpu.dma_semaphore, #tpu.memory_space<semaphore_mem>> -> memref<1x!tpu.dma_semaphore, #tpu.memory_space<semaphore_mem>>
    %dma_start3A_141 = tpu.memref_squeeze %dma_start3A_140 : memref<1x!tpu.dma_semaphore, #tpu.memory_space<semaphore_mem>> -> memref<!tpu.dma_semaphore, #tpu.memory_space<semaphore_mem>>
    tpu.enqueue_indirect_dma source(%dma_start3A_139 : memref<5000x128xf32, #tpu.memory_space<hbm>>) target(%dma_start3A_133 : memref<128x128xf32, #tpu.memory_space<vmem>>) offsets(%dma_start3A_136 : memref<128xi32, #tpu.memory_space<vmem>>) semaphore(%dma_start3A_141 : memref<!tpu.dma_semaphore, #tpu.memory_space<semaphore_mem>>)
    %gt3A = arith.constant 1 : i32
    %gt3A_142 = arith.cmpi sgt, %select_n3A, %gt3A : i32
    %convert_element_type3A = arith.extui %gt3A_142 : i1 to i32
    %cond3A = arith.constant 0 : i32
    %cond3A_143 = arith.cmpi ne, %convert_element_type3A, %cond3A : i32
    scf.if %cond3A_143 {
      %dma_start3A_175 = arith.constant 0 : i32
      %dma_start3A_176 = arith.constant 1 : i32
      %dma_start3A_177 = arith.constant 1 : i32
      %dma_start3A_178 = arith.constant 1 : i32
      %dma_start3A_179 = arith.constant 0 : i32
      %dma_start3A_180 = arith.constant 0 : i32
      %dma_start3A_181 = tpu.memref_slice %arg9[%dma_start3A_177, %dma_start3A_179, %dma_start3A_180] : memref<3x128x128xf32, #tpu.memory_space<vmem>> -> memref<1x128x128xf32, #tpu.memory_space<vmem>>
      %dma_start3A_182 = tpu.memref_squeeze %dma_start3A_181 : memref<1x128x128xf32, #tpu.memory_space<vmem>> -> memref<128x128xf32, #tpu.memory_space<vmem>>
      %dma_start3A_183 = arith.constant 0 : i32
      %dma_start3A_184 = tpu.memref_slice %arg8[%dma_start3A_175, %dma_start3A_176, %dma_start3A_183] : memref<2x32x128xi32, #tpu.memory_space<vmem>> -> memref<1x1x128xi32, #tpu.memory_space<vmem>>
      %dma_start3A_185 = tpu.memref_squeeze %dma_start3A_184 : memref<1x1x128xi32, #tpu.memory_space<vmem>> -> memref<128xi32, #tpu.memory_space<vmem>>
      %dma_start3A_186 = arith.constant 0 : i32
      %dma_start3A_187 = arith.constant 0 : i32
      %dma_start3A_188 = tpu.memref_slice %arg2[%dma_start3A_186, %dma_start3A_187] : memref<5000x128xf32, #tpu.memory_space<hbm>> -> memref<5000x128xf32, #tpu.memory_space<hbm>>
      %dma_start3A_189 = tpu.memref_slice %arg13[%dma_start3A_178] : memref<3x!tpu.dma_semaphore, #tpu.memory_space<semaphore_mem>> -> memref<1x!tpu.dma_semaphore, #tpu.memory_space<semaphore_mem>>
      %dma_start3A_190 = tpu.memref_squeeze %dma_start3A_189 : memref<1x!tpu.dma_semaphore, #tpu.memory_space<semaphore_mem>> -> memref<!tpu.dma_semaphore, #tpu.memory_space<semaphore_mem>>
      tpu.enqueue_indirect_dma source(%dma_start3A_188 : memref<5000x128xf32, #tpu.memory_space<hbm>>) target(%dma_start3A_182 : memref<128x128xf32, #tpu.memory_space<vmem>>) offsets(%dma_start3A_185 : memref<128xi32, #tpu.memory_space<vmem>>) semaphore(%dma_start3A_190 : memref<!tpu.dma_semaphore, #tpu.memory_space<semaphore_mem>>)
    } else {
    }
    %while3A = arith.constant 0 : i32
    %while3A_144 = arith.constant 0 : i32
    %while3A_145 = arith.subi %select_n3A, %while3A : i32
    %while3A_146 = arith.addi %while3A, %while3A_145 : i32
    %while3A_147 = arith.constant 1 : i32
    %while3A_148 = arith.divsi %while3A_145, %while3A_147 : i32
    %while3A_149 = arith.muli %while3A_148, %while3A_147 : i32
    %while3A_150 = arith.addi %while3A, %while3A_149 : i32
    %while3A_151 = arith.constant 1 : i32
    %while3A_152 = scf.for %while3A_175 = %while3A to %while3A_150 step %while3A_151 iter_args(%while3A_176 = %while3A_144) -> (i32)  : i32 {
      %rem3A_177 = arith.constant 3 : i32
      %rem3A_178 = arith.remsi %while3A_175, %rem3A_177 : i32
      %ge3A = arith.constant 1 : i32
      %ge3A_179 = arith.cmpi sge, %while3A_175, %ge3A : i32
      %convert_element_type3A_180 = arith.extui %ge3A_179 : i1 to i32
      %cond3A_181 = arith.constant 0 : i32
      %cond3A_182 = arith.cmpi ne, %convert_element_type3A_180, %cond3A_181 : i32
      scf.if %cond3A_182 {
        %sub3A_254 = arith.constant 1 : i32
        %sub3A_255 = arith.subi %while3A_175, %sub3A_254 : i32
        %rem3A_256 = arith.constant 3 : i32
        %rem3A_257 = arith.remsi %sub3A_255, %rem3A_256 : i32
        %sub3A_258 = arith.constant 1 : i32
        %sub3A_259 = arith.subi %while3A_175, %sub3A_258 : i32
        %dma_wait3A_260 = arith.constant 1 : i32
        %dma_wait3A_261 = arith.constant 0 : i32
        %dma_wait3A_262 = arith.constant 0 : i32
        %dma_wait3A_263 = tpu.memref_slice %arg9[%rem3A_257, %dma_wait3A_261, %dma_wait3A_262] : memref<3x128x128xf32, #tpu.memory_space<vmem>> -> memref<1x128x128xf32, #tpu.memory_space<vmem>>
        %dma_wait3A_264 = tpu.memref_squeeze %dma_wait3A_263 : memref<1x128x128xf32, #tpu.memory_space<vmem>> -> memref<128x128xf32, #tpu.memory_space<vmem>>
        %dma_wait3A_265 = arith.constant 0 : i32
        %dma_wait3A_266 = tpu.memref_slice %arg8[%dma_wait3A_260, %sub3A_259, %dma_wait3A_265] : memref<2x32x128xi32, #tpu.memory_space<vmem>> -> memref<1x1x128xi32, #tpu.memory_space<vmem>>
        %dma_wait3A_267 = tpu.memref_squeeze %dma_wait3A_266 : memref<1x1x128xi32, #tpu.memory_space<vmem>> -> memref<128xi32, #tpu.memory_space<vmem>>
        %dma_wait3A_268 = arith.constant 0 : i32
        %dma_wait3A_269 = arith.constant 0 : i32
        %dma_wait3A_270 = tpu.memref_slice %arg11[%dma_wait3A_268, %dma_wait3A_269] : memref<1024x128xf32, #tpu.memory_space<vmem_shared>> -> memref<1024x128xf32, #tpu.memory_space<vmem_shared>>
        %dma_wait3A_271 = tpu.memref_slice %arg14[%rem3A_257] : memref<3x!tpu.dma_semaphore, #tpu.memory_space<semaphore_mem>> -> memref<1x!tpu.dma_semaphore, #tpu.memory_space<semaphore_mem>>
        %dma_wait3A_272 = tpu.memref_squeeze %dma_wait3A_271 : memref<1x!tpu.dma_semaphore, #tpu.memory_space<semaphore_mem>> -> memref<!tpu.dma_semaphore, #tpu.memory_space<semaphore_mem>>
        tpu.wait_indirect_dma semaphore(%dma_wait3A_272 : memref<!tpu.dma_semaphore, #tpu.memory_space<semaphore_mem>>) src(%dma_wait3A_264 : memref<128x128xf32, #tpu.memory_space<vmem>>) dst(%dma_wait3A_270 : memref<1024x128xf32, #tpu.memory_space<vmem_shared>>)
      } else {
      }
      %add3A_183 = arith.constant 2 : i32
      %add3A_184 = arith.addi %while3A_175, %add3A_183 : i32
      %lt3A = arith.cmpi slt, %add3A_184, %select_n3A : i32
      %convert_element_type3A_185 = arith.extui %lt3A : i1 to i32
      %cond3A_186 = arith.constant 0 : i32
      %cond3A_187 = arith.cmpi ne, %convert_element_type3A_185, %cond3A_186 : i32
      scf.if %cond3A_187 {
        %add3A_254 = arith.constant 2 : i32
        %add3A_255 = arith.addi %while3A_175, %add3A_254 : i32
        %add3A_256 = arith.constant 2 : i32
        %add3A_257 = arith.addi %while3A_175, %add3A_256 : i32
        %rem3A_258 = arith.constant 3 : i32
        %rem3A_259 = arith.remsi %add3A_257, %rem3A_258 : i32
        %dma_start3A_260 = arith.constant 0 : i32
        %dma_start3A_261 = arith.constant 0 : i32
        %dma_start3A_262 = arith.constant 0 : i32
        %dma_start3A_263 = tpu.memref_slice %arg9[%rem3A_259, %dma_start3A_261, %dma_start3A_262] : memref<3x128x128xf32, #tpu.memory_space<vmem>> -> memref<1x128x128xf32, #tpu.memory_space<vmem>>
        %dma_start3A_264 = tpu.memref_squeeze %dma_start3A_263 : memref<1x128x128xf32, #tpu.memory_space<vmem>> -> memref<128x128xf32, #tpu.memory_space<vmem>>
        %dma_start3A_265 = arith.constant 0 : i32
        %dma_start3A_266 = tpu.memref_slice %arg8[%dma_start3A_260, %add3A_255, %dma_start3A_265] : memref<2x32x128xi32, #tpu.memory_space<vmem>> -> memref<1x1x128xi32, #tpu.memory_space<vmem>>
        %dma_start3A_267 = tpu.memref_squeeze %dma_start3A_266 : memref<1x1x128xi32, #tpu.memory_space<vmem>> -> memref<128xi32, #tpu.memory_space<vmem>>
        %dma_start3A_268 = arith.constant 0 : i32
        %dma_start3A_269 = arith.constant 0 : i32
        %dma_start3A_270 = tpu.memref_slice %arg2[%dma_start3A_268, %dma_start3A_269] : memref<5000x128xf32, #tpu.memory_space<hbm>> -> memref<5000x128xf32, #tpu.memory_space<hbm>>
        %dma_start3A_271 = tpu.memref_slice %arg13[%rem3A_259] : memref<3x!tpu.dma_semaphore, #tpu.memory_space<semaphore_mem>> -> memref<1x!tpu.dma_semaphore, #tpu.memory_space<semaphore_mem>>
        %dma_start3A_272 = tpu.memref_squeeze %dma_start3A_271 : memref<1x!tpu.dma_semaphore, #tpu.memory_space<semaphore_mem>> -> memref<!tpu.dma_semaphore, #tpu.memory_space<semaphore_mem>>
        tpu.enqueue_indirect_dma source(%dma_start3A_270 : memref<5000x128xf32, #tpu.memory_space<hbm>>) target(%dma_start3A_264 : memref<128x128xf32, #tpu.memory_space<vmem>>) offsets(%dma_start3A_267 : memref<128xi32, #tpu.memory_space<vmem>>) semaphore(%dma_start3A_272 : memref<!tpu.dma_semaphore, #tpu.memory_space<semaphore_mem>>)
      } else {
      }
      %get3A = arith.constant 1 : i32
      %get3A_188 = arith.index_cast %get3A : i32 to index
      %get3A_189 = arith.index_cast %while3A_175 : i32 to index
      %get3A_190 = arith.constant 0 : index
      %get3A_191 = tpu.vector_load %arg8[%get3A_188, %get3A_189, %get3A_190] {strides = array<i32>} : memref<2x32x128xi32, #tpu.memory_space<vmem>>, vector<16xi32>,
      tpu.vector_store_idx %arg10[%get3A_191], %broadcast_in_dim3A_125 {add = true} : memref<1024xf32, #tpu.memory_space<vmem>>[vector<16xi32>], vector<16xf32>,
      %get3A_192 = arith.constant 1 : i32
      %get3A_193 = arith.index_cast %get3A_192 : i32 to index
      %get3A_194 = arith.index_cast %while3A_175 : i32 to index
      %get3A_195 = arith.constant 16 : index
      %get3A_196 = tpu.vector_load %arg8[%get3A_193, %get3A_194, %get3A_195] {strides = array<i32>} : memref<2x32x128xi32, #tpu.memory_space<vmem>>, vector<16xi32>,
      tpu.vector_store_idx %arg10[%get3A_196], %broadcast_in_dim3A_125 {add = true} : memref<1024xf32, #tpu.memory_space<vmem>>[vector<16xi32>], vector<16xf32>,
      %get3A_197 = arith.constant 1 : i32
      %get3A_198 = arith.index_cast %get3A_197 : i32 to index
      %get3A_199 = arith.index_cast %while3A_175 : i32 to index
      %get3A_200 = arith.constant 32 : index
      %get3A_201 = tpu.vector_load %arg8[%get3A_198, %get3A_199, %get3A_200] {strides = array<i32>} : memref<2x32x128xi32, #tpu.memory_space<vmem>>, vector<16xi32>,
      tpu.vector_store_idx %arg10[%get3A_201], %broadcast_in_dim3A_125 {add = true} : memref<1024xf32, #tpu.memory_space<vmem>>[vector<16xi32>], vector<16xf32>,
      %get3A_202 = arith.constant 1 : i32
      %get3A_203 = arith.index_cast %get3A_202 : i32 to index
      %get3A_204 = arith.index_cast %while3A_175 : i32 to index
      %get3A_205 = arith.constant 48 : index
      %get3A_206 = tpu.vector_load %arg8[%get3A_203, %get3A_204, %get3A_205] {strides = array<i32>} : memref<2x32x128xi32, #tpu.memory_space<vmem>>, vector<16xi32>,
      tpu.vector_store_idx %arg10[%get3A_206], %broadcast_in_dim3A_125 {add = true} : memref<1024xf32, #tpu.memory_space<vmem>>[vector<16xi32>], vector<16xf32>,
      %get3A_207 = arith.constant 1 : i32
      %get3A_208 = arith.index_cast %get3A_207 : i32 to index
      %get3A_209 = arith.index_cast %while3A_175 : i32 to index
      %get3A_210 = arith.constant 64 : index
      %get3A_211 = tpu.vector_load %arg8[%get3A_208, %get3A_209, %get3A_210] {strides = array<i32>} : memref<2x32x128xi32, #tpu.memory_space<vmem>>, vector<16xi32>,
      tpu.vector_store_idx %arg10[%get3A_211], %broadcast_in_dim3A_125 {add = true} : memref<1024xf32, #tpu.memory_space<vmem>>[vector<16xi32>], vector<16xf32>,
      %get3A_212 = arith.constant 1 : i32
      %get3A_213 = arith.index_cast %get3A_212 : i32 to index
      %get3A_214 = arith.index_cast %while3A_175 : i32 to index
      %get3A_215 = arith.constant 80 : index
      %get3A_216 = tpu.vector_load %arg8[%get3A_213, %get3A_214, %get3A_215] {strides = array<i32>} : memref<2x32x128xi32, #tpu.memory_space<vmem>>, vector<16xi32>,
      tpu.vector_store_idx %arg10[%get3A_216], %broadcast_in_dim3A_125 {add = true} : memref<1024xf32, #tpu.memory_space<vmem>>[vector<16xi32>], vector<16xf32>,
      %get3A_217 = arith.constant 1 : i32
      %get3A_218 = arith.index_cast %get3A_217 : i32 to index
      %get3A_219 = arith.index_cast %while3A_175 : i32 to index
      %get3A_220 = arith.constant 96 : index
      %get3A_221 = tpu.vector_load %arg8[%get3A_218, %get3A_219, %get3A_220] {strides = array<i32>} : memref<2x32x128xi32, #tpu.memory_space<vmem>>, vector<16xi32>,
      tpu.vector_store_idx %arg10[%get3A_221], %broadcast_in_dim3A_125 {add = true} : memref<1024xf32, #tpu.memory_space<vmem>>[vector<16xi32>], vector<16xf32>,
      %get3A_222 = arith.constant 1 : i32
      %get3A_223 = arith.index_cast %get3A_222 : i32 to index
      %get3A_224 = arith.index_cast %while3A_175 : i32 to index
      %get3A_225 = arith.constant 112 : index
      %get3A_226 = tpu.vector_load %arg8[%get3A_223, %get3A_224, %get3A_225] {strides = array<i32>} : memref<2x32x128xi32, #tpu.memory_space<vmem>>, vector<16xi32>,
      tpu.vector_store_idx %arg10[%get3A_226], %broadcast_in_dim3A_125 {add = true} : memref<1024xf32, #tpu.memory_space<vmem>>[vector<16xi32>], vector<16xf32>,
      %dma_wait3A_227 = arith.constant 0 : i32
      %dma_wait3A_228 = arith.constant 0 : i32
      %dma_wait3A_229 = arith.constant 0 : i32
      %dma_wait3A_230 = tpu.memref_slice %arg9[%rem3A_178, %dma_wait3A_228, %dma_wait3A_229] : memref<3x128x128xf32, #tpu.memory_space<vmem>> -> memref<1x128x128xf32, #tpu.memory_space<vmem>>
      %dma_wait3A_231 = tpu.memref_squeeze %dma_wait3A_230 : memref<1x128x128xf32, #tpu.memory_space<vmem>> -> memref<128x128xf32, #tpu.memory_space<vmem>>
      %dma_wait3A_232 = arith.constant 0 : i32
      %dma_wait3A_233 = tpu.memref_slice %arg8[%dma_wait3A_227, %while3A_175, %dma_wait3A_232] : memref<2x32x128xi32, #tpu.memory_space<vmem>> -> memref<1x1x128xi32, #tpu.memory_space<vmem>>
      %dma_wait3A_234 = tpu.memref_squeeze %dma_wait3A_233 : memref<1x1x128xi32, #tpu.memory_space<vmem>> -> memref<128xi32, #tpu.memory_space<vmem>>
      %dma_wait3A_235 = arith.constant 0 : i32
      %dma_wait3A_236 = arith.constant 0 : i32
      %dma_wait3A_237 = tpu.memref_slice %arg2[%dma_wait3A_235, %dma_wait3A_236] : memref<5000x128xf32, #tpu.memory_space<hbm>> -> memref<5000x128xf32, #tpu.memory_space<hbm>>
      %dma_wait3A_238 = tpu.memref_slice %arg13[%rem3A_178] : memref<3x!tpu.dma_semaphore, #tpu.memory_space<semaphore_mem>> -> memref<1x!tpu.dma_semaphore, #tpu.memory_space<semaphore_mem>>
      %dma_wait3A_239 = tpu.memref_squeeze %dma_wait3A_238 : memref<1x!tpu.dma_semaphore, #tpu.memory_space<semaphore_mem>> -> memref<!tpu.dma_semaphore, #tpu.memory_space<semaphore_mem>>
      tpu.wait_indirect_dma semaphore(%dma_wait3A_239 : memref<!tpu.dma_semaphore, #tpu.memory_space<semaphore_mem>>) src(%dma_wait3A_237 : memref<5000x128xf32, #tpu.memory_space<hbm>>) dst(%dma_wait3A_231 : memref<128x128xf32, #tpu.memory_space<vmem>>)
      %dma_start3A_240 = arith.constant 1 : i32
      %dma_start3A_241 = arith.constant 0 : i32
      %dma_start3A_242 = arith.constant 0 : i32
      %dma_start3A_243 = tpu.memref_slice %arg9[%rem3A_178, %dma_start3A_241, %dma_start3A_242] : memref<3x128x128xf32, #tpu.memory_space<vmem>> -> memref<1x128x128xf32, #tpu.memory_space<vmem>>
      %dma_start3A_244 = tpu.memref_squeeze %dma_start3A_243 : memref<1x128x128xf32, #tpu.memory_space<vmem>> -> memref<128x128xf32, #tpu.memory_space<vmem>>
      %dma_start3A_245 = arith.constant 0 : i32
      %dma_start3A_246 = tpu.memref_slice %arg8[%dma_start3A_240, %while3A_175, %dma_start3A_245] : memref<2x32x128xi32, #tpu.memory_space<vmem>> -> memref<1x1x128xi32, #tpu.memory_space<vmem>>
      %dma_start3A_247 = tpu.memref_squeeze %dma_start3A_246 : memref<1x1x128xi32, #tpu.memory_space<vmem>> -> memref<128xi32, #tpu.memory_space<vmem>>
      %dma_start3A_248 = arith.constant 0 : i32
      %dma_start3A_249 = arith.constant 0 : i32
      %dma_start3A_250 = tpu.memref_slice %arg11[%dma_start3A_248, %dma_start3A_249] : memref<1024x128xf32, #tpu.memory_space<vmem_shared>> -> memref<1024x128xf32, #tpu.memory_space<vmem_shared>>
      %dma_start3A_251 = tpu.memref_slice %arg14[%rem3A_178] : memref<3x!tpu.dma_semaphore, #tpu.memory_space<semaphore_mem>> -> memref<1x!tpu.dma_semaphore, #tpu.memory_space<semaphore_mem>>
      %dma_start3A_252 = tpu.memref_squeeze %dma_start3A_251 : memref<1x!tpu.dma_semaphore, #tpu.memory_space<semaphore_mem>> -> memref<!tpu.dma_semaphore, #tpu.memory_space<semaphore_mem>>
      tpu.enqueue_indirect_dma source(%dma_start3A_244 : memref<128x128xf32, #tpu.memory_space<vmem>>) target(%dma_start3A_250 : memref<1024x128xf32, #tpu.memory_space<vmem_shared>>) offsets(%dma_start3A_247 : memref<128xi32, #tpu.memory_space<vmem>>) semaphore(%dma_start3A_252 : memref<!tpu.dma_semaphore, #tpu.memory_space<semaphore_mem>>) {add = true}
      %while3A_253 = arith.constant 0 : i32
      scf.yield %while3A_253 : i32
    }
    %while3A_153 = arith.constant 1 : i32
    %while3A_154 = scf.for %while3A_175 = %while3A_150 to %while3A_146 step %while3A_153 iter_args(%while3A_176 = %while3A_152) -> (i32)  : i32 {
      %rem3A_177 = arith.constant 3 : i32
      %rem3A_178 = arith.remsi %while3A_175, %rem3A_177 : i32
      %ge3A = arith.constant 1 : i32
      %ge3A_179 = arith.cmpi sge, %while3A_175, %ge3A : i32
      %convert_element_type3A_180 = arith.extui %ge3A_179 : i1 to i32
      %cond3A_181 = arith.constant 0 : i32
      %cond3A_182 = arith.cmpi ne, %convert_element_type3A_180, %cond3A_181 : i32
      scf.if %cond3A_182 {
        %sub3A_254 = arith.constant 1 : i32
        %sub3A_255 = arith.subi %while3A_175, %sub3A_254 : i32
        %rem3A_256 = arith.constant 3 : i32
        %rem3A_257 = arith.remsi %sub3A_255, %rem3A_256 : i32
        %sub3A_258 = arith.constant 1 : i32
        %sub3A_259 = arith.subi %while3A_175, %sub3A_258 : i32
        %dma_wait3A_260 = arith.constant 1 : i32
        %dma_wait3A_261 = arith.constant 0 : i32
        %dma_wait3A_262 = arith.constant 0 : i32
        %dma_wait3A_263 = tpu.memref_slice %arg9[%rem3A_257, %dma_wait3A_261, %dma_wait3A_262] : memref<3x128x128xf32, #tpu.memory_space<vmem>> -> memref<1x128x128xf32, #tpu.memory_space<vmem>>
        %dma_wait3A_264 = tpu.memref_squeeze %dma_wait3A_263 : memref<1x128x128xf32, #tpu.memory_space<vmem>> -> memref<128x128xf32, #tpu.memory_space<vmem>>
        %dma_wait3A_265 = arith.constant 0 : i32
        %dma_wait3A_266 = tpu.memref_slice %arg8[%dma_wait3A_260, %sub3A_259, %dma_wait3A_265] : memref<2x32x128xi32, #tpu.memory_space<vmem>> -> memref<1x1x128xi32, #tpu.memory_space<vmem>>
        %dma_wait3A_267 = tpu.memref_squeeze %dma_wait3A_266 : memref<1x1x128xi32, #tpu.memory_space<vmem>> -> memref<128xi32, #tpu.memory_space<vmem>>
        %dma_wait3A_268 = arith.constant 0 : i32
        %dma_wait3A_269 = arith.constant 0 : i32
        %dma_wait3A_270 = tpu.memref_slice %arg11[%dma_wait3A_268, %dma_wait3A_269] : memref<1024x128xf32, #tpu.memory_space<vmem_shared>> -> memref<1024x128xf32, #tpu.memory_space<vmem_shared>>
        %dma_wait3A_271 = tpu.memref_slice %arg14[%rem3A_257] : memref<3x!tpu.dma_semaphore, #tpu.memory_space<semaphore_mem>> -> memref<1x!tpu.dma_semaphore, #tpu.memory_space<semaphore_mem>>
        %dma_wait3A_272 = tpu.memref_squeeze %dma_wait3A_271 : memref<1x!tpu.dma_semaphore, #tpu.memory_space<semaphore_mem>> -> memref<!tpu.dma_semaphore, #tpu.memory_space<semaphore_mem>>
        tpu.wait_indirect_dma semaphore(%dma_wait3A_272 : memref<!tpu.dma_semaphore, #tpu.memory_space<semaphore_mem>>) src(%dma_wait3A_264 : memref<128x128xf32, #tpu.memory_space<vmem>>) dst(%dma_wait3A_270 : memref<1024x128xf32, #tpu.memory_space<vmem_shared>>)
      } else {
      }
      %add3A_183 = arith.constant 2 : i32
      %add3A_184 = arith.addi %while3A_175, %add3A_183 : i32
      %lt3A = arith.cmpi slt, %add3A_184, %select_n3A : i32
      %convert_element_type3A_185 = arith.extui %lt3A : i1 to i32
      %cond3A_186 = arith.constant 0 : i32
      %cond3A_187 = arith.cmpi ne, %convert_element_type3A_185, %cond3A_186 : i32
      scf.if %cond3A_187 {
        %add3A_254 = arith.constant 2 : i32
        %add3A_255 = arith.addi %while3A_175, %add3A_254 : i32
        %add3A_256 = arith.constant 2 : i32
        %add3A_257 = arith.addi %while3A_175, %add3A_256 : i32
        %rem3A_258 = arith.constant 3 : i32
        %rem3A_259 = arith.remsi %add3A_257, %rem3A_258 : i32
        %dma_start3A_260 = arith.constant 0 : i32
        %dma_start3A_261 = arith.constant 0 : i32
        %dma_start3A_262 = arith.constant 0 : i32
        %dma_start3A_263 = tpu.memref_slice %arg9[%rem3A_259, %dma_start3A_261, %dma_start3A_262] : memref<3x128x128xf32, #tpu.memory_space<vmem>> -> memref<1x128x128xf32, #tpu.memory_space<vmem>>
        %dma_start3A_264 = tpu.memref_squeeze %dma_start3A_263 : memref<1x128x128xf32, #tpu.memory_space<vmem>> -> memref<128x128xf32, #tpu.memory_space<vmem>>
        %dma_start3A_265 = arith.constant 0 : i32
        %dma_start3A_266 = tpu.memref_slice %arg8[%dma_start3A_260, %add3A_255, %dma_start3A_265] : memref<2x32x128xi32, #tpu.memory_space<vmem>> -> memref<1x1x128xi32, #tpu.memory_space<vmem>>
        %dma_start3A_267 = tpu.memref_squeeze %dma_start3A_266 : memref<1x1x128xi32, #tpu.memory_space<vmem>> -> memref<128xi32, #tpu.memory_space<vmem>>
        %dma_start3A_268 = arith.constant 0 : i32
        %dma_start3A_269 = arith.constant 0 : i32
        %dma_start3A_270 = tpu.memref_slice %arg2[%dma_start3A_268, %dma_start3A_269] : memref<5000x128xf32, #tpu.memory_space<hbm>> -> memref<5000x128xf32, #tpu.memory_space<hbm>>
        %dma_start3A_271 = tpu.memref_slice %arg13[%rem3A_259] : memref<3x!tpu.dma_semaphore, #tpu.memory_space<semaphore_mem>> -> memref<1x!tpu.dma_semaphore, #tpu.memory_space<semaphore_mem>>
        %dma_start3A_272 = tpu.memref_squeeze %dma_start3A_271 : memref<1x!tpu.dma_semaphore, #tpu.memory_space<semaphore_mem>> -> memref<!tpu.dma_semaphore, #tpu.memory_space<semaphore_mem>>
        tpu.enqueue_indirect_dma source(%dma_start3A_270 : memref<5000x128xf32, #tpu.memory_space<hbm>>) target(%dma_start3A_264 : memref<128x128xf32, #tpu.memory_space<vmem>>) offsets(%dma_start3A_267 : memref<128xi32, #tpu.memory_space<vmem>>) semaphore(%dma_start3A_272 : memref<!tpu.dma_semaphore, #tpu.memory_space<semaphore_mem>>)
      } else {
      }
      %get3A = arith.constant 1 : i32
      %get3A_188 = arith.index_cast %get3A : i32 to index
      %get3A_189 = arith.index_cast %while3A_175 : i32 to index
      %get3A_190 = arith.constant 0 : index
      %get3A_191 = tpu.vector_load %arg8[%get3A_188, %get3A_189, %get3A_190] {strides = array<i32>} : memref<2x32x128xi32, #tpu.memory_space<vmem>>, vector<16xi32>,
      tpu.vector_store_idx %arg10[%get3A_191], %broadcast_in_dim3A_125 {add = true} : memref<1024xf32, #tpu.memory_space<vmem>>[vector<16xi32>], vector<16xf32>,
      %get3A_192 = arith.constant 1 : i32
      %get3A_193 = arith.index_cast %get3A_192 : i32 to index
      %get3A_194 = arith.index_cast %while3A_175 : i32 to index
      %get3A_195 = arith.constant 16 : index
      %get3A_196 = tpu.vector_load %arg8[%get3A_193, %get3A_194, %get3A_195] {strides = array<i32>} : memref<2x32x128xi32, #tpu.memory_space<vmem>>, vector<16xi32>,
      tpu.vector_store_idx %arg10[%get3A_196], %broadcast_in_dim3A_125 {add = true} : memref<1024xf32, #tpu.memory_space<vmem>>[vector<16xi32>], vector<16xf32>,
      %get3A_197 = arith.constant 1 : i32
      %get3A_198 = arith.index_cast %get3A_197 : i32 to index
      %get3A_199 = arith.index_cast %while3A_175 : i32 to index
      %get3A_200 = arith.constant 32 : index
      %get3A_201 = tpu.vector_load %arg8[%get3A_198, %get3A_199, %get3A_200] {strides = array<i32>} : memref<2x32x128xi32, #tpu.memory_space<vmem>>, vector<16xi32>,
      tpu.vector_store_idx %arg10[%get3A_201], %broadcast_in_dim3A_125 {add = true} : memref<1024xf32, #tpu.memory_space<vmem>>[vector<16xi32>], vector<16xf32>,
      %get3A_202 = arith.constant 1 : i32
      %get3A_203 = arith.index_cast %get3A_202 : i32 to index
      %get3A_204 = arith.index_cast %while3A_175 : i32 to index
      %get3A_205 = arith.constant 48 : index
      %get3A_206 = tpu.vector_load %arg8[%get3A_203, %get3A_204, %get3A_205] {strides = array<i32>} : memref<2x32x128xi32, #tpu.memory_space<vmem>>, vector<16xi32>,
      tpu.vector_store_idx %arg10[%get3A_206], %broadcast_in_dim3A_125 {add = true} : memref<1024xf32, #tpu.memory_space<vmem>>[vector<16xi32>], vector<16xf32>,
      %get3A_207 = arith.constant 1 : i32
      %get3A_208 = arith.index_cast %get3A_207 : i32 to index
      %get3A_209 = arith.index_cast %while3A_175 : i32 to index
      %get3A_210 = arith.constant 64 : index
      %get3A_211 = tpu.vector_load %arg8[%get3A_208, %get3A_209, %get3A_210] {strides = array<i32>} : memref<2x32x128xi32, #tpu.memory_space<vmem>>, vector<16xi32>,
      tpu.vector_store_idx %arg10[%get3A_211], %broadcast_in_dim3A_125 {add = true} : memref<1024xf32, #tpu.memory_space<vmem>>[vector<16xi32>], vector<16xf32>,
      %get3A_212 = arith.constant 1 : i32
      %get3A_213 = arith.index_cast %get3A_212 : i32 to index
      %get3A_214 = arith.index_cast %while3A_175 : i32 to index
      %get3A_215 = arith.constant 80 : index
      %get3A_216 = tpu.vector_load %arg8[%get3A_213, %get3A_214, %get3A_215] {strides = array<i32>} : memref<2x32x128xi32, #tpu.memory_space<vmem>>, vector<16xi32>,
      tpu.vector_store_idx %arg10[%get3A_216], %broadcast_in_dim3A_125 {add = true} : memref<1024xf32, #tpu.memory_space<vmem>>[vector<16xi32>], vector<16xf32>,
      %get3A_217 = arith.constant 1 : i32
      %get3A_218 = arith.index_cast %get3A_217 : i32 to index
      %get3A_219 = arith.index_cast %while3A_175 : i32 to index
      %get3A_220 = arith.constant 96 : index
      %get3A_221 = tpu.vector_load %arg8[%get3A_218, %get3A_219, %get3A_220] {strides = array<i32>} : memref<2x32x128xi32, #tpu.memory_space<vmem>>, vector<16xi32>,
      tpu.vector_store_idx %arg10[%get3A_221], %broadcast_in_dim3A_125 {add = true} : memref<1024xf32, #tpu.memory_space<vmem>>[vector<16xi32>], vector<16xf32>,
      %get3A_222 = arith.constant 1 : i32
      %get3A_223 = arith.index_cast %get3A_222 : i32 to index
      %get3A_224 = arith.index_cast %while3A_175 : i32 to index
      %get3A_225 = arith.constant 112 : index
      %get3A_226 = tpu.vector_load %arg8[%get3A_223, %get3A_224, %get3A_225] {strides = array<i32>} : memref<2x32x128xi32, #tpu.memory_space<vmem>>, vector<16xi32>,
      tpu.vector_store_idx %arg10[%get3A_226], %broadcast_in_dim3A_125 {add = true} : memref<1024xf32, #tpu.memory_space<vmem>>[vector<16xi32>], vector<16xf32>,
      %dma_wait3A_227 = arith.constant 0 : i32
      %dma_wait3A_228 = arith.constant 0 : i32
      %dma_wait3A_229 = arith.constant 0 : i32
      %dma_wait3A_230 = tpu.memref_slice %arg9[%rem3A_178, %dma_wait3A_228, %dma_wait3A_229] : memref<3x128x128xf32, #tpu.memory_space<vmem>> -> memref<1x128x128xf32, #tpu.memory_space<vmem>>
      %dma_wait3A_231 = tpu.memref_squeeze %dma_wait3A_230 : memref<1x128x128xf32, #tpu.memory_space<vmem>> -> memref<128x128xf32, #tpu.memory_space<vmem>>
      %dma_wait3A_232 = arith.constant 0 : i32
      %dma_wait3A_233 = tpu.memref_slice %arg8[%dma_wait3A_227, %while3A_175, %dma_wait3A_232] : memref<2x32x128xi32, #tpu.memory_space<vmem>> -> memref<1x1x128xi32, #tpu.memory_space<vmem>>
      %dma_wait3A_234 = tpu.memref_squeeze %dma_wait3A_233 : memref<1x1x128xi32, #tpu.memory_space<vmem>> -> memref<128xi32, #tpu.memory_space<vmem>>
      %dma_wait3A_235 = arith.constant 0 : i32
      %dma_wait3A_236 = arith.constant 0 : i32
      %dma_wait3A_237 = tpu.memref_slice %arg2[%dma_wait3A_235, %dma_wait3A_236] : memref<5000x128xf32, #tpu.memory_space<hbm>> -> memref<5000x128xf32, #tpu.memory_space<hbm>>
      %dma_wait3A_238 = tpu.memref_slice %arg13[%rem3A_178] : memref<3x!tpu.dma_semaphore, #tpu.memory_space<semaphore_mem>> -> memref<1x!tpu.dma_semaphore, #tpu.memory_space<semaphore_mem>>
      %dma_wait3A_239 = tpu.memref_squeeze %dma_wait3A_238 : memref<1x!tpu.dma_semaphore, #tpu.memory_space<semaphore_mem>> -> memref<!tpu.dma_semaphore, #tpu.memory_space<semaphore_mem>>
      tpu.wait_indirect_dma semaphore(%dma_wait3A_239 : memref<!tpu.dma_semaphore, #tpu.memory_space<semaphore_mem>>) src(%dma_wait3A_237 : memref<5000x128xf32, #tpu.memory_space<hbm>>) dst(%dma_wait3A_231 : memref<128x128xf32, #tpu.memory_space<vmem>>)
      %dma_start3A_240 = arith.constant 1 : i32
      %dma_start3A_241 = arith.constant 0 : i32
      %dma_start3A_242 = arith.constant 0 : i32
      %dma_start3A_243 = tpu.memref_slice %arg9[%rem3A_178, %dma_start3A_241, %dma_start3A_242] : memref<3x128x128xf32, #tpu.memory_space<vmem>> -> memref<1x128x128xf32, #tpu.memory_space<vmem>>
      %dma_start3A_244 = tpu.memref_squeeze %dma_start3A_243 : memref<1x128x128xf32, #tpu.memory_space<vmem>> -> memref<128x128xf32, #tpu.memory_space<vmem>>
      %dma_start3A_245 = arith.constant 0 : i32
      %dma_start3A_246 = tpu.memref_slice %arg8[%dma_start3A_240, %while3A_175, %dma_start3A_245] : memref<2x32x128xi32, #tpu.memory_space<vmem>> -> memref<1x1x128xi32, #tpu.memory_space<vmem>>
      %dma_start3A_247 = tpu.memref_squeeze %dma_start3A_246 : memref<1x1x128xi32, #tpu.memory_space<vmem>> -> memref<128xi32, #tpu.memory_space<vmem>>
      %dma_start3A_248 = arith.constant 0 : i32
      %dma_start3A_249 = arith.constant 0 : i32
      %dma_start3A_250 = tpu.memref_slice %arg11[%dma_start3A_248, %dma_start3A_249] : memref<1024x128xf32, #tpu.memory_space<vmem_shared>> -> memref<1024x128xf32, #tpu.memory_space<vmem_shared>>
      %dma_start3A_251 = tpu.memref_slice %arg14[%rem3A_178] : memref<3x!tpu.dma_semaphore, #tpu.memory_space<semaphore_mem>> -> memref<1x!tpu.dma_semaphore, #tpu.memory_space<semaphore_mem>>
      %dma_start3A_252 = tpu.memref_squeeze %dma_start3A_251 : memref<1x!tpu.dma_semaphore, #tpu.memory_space<semaphore_mem>> -> memref<!tpu.dma_semaphore, #tpu.memory_space<semaphore_mem>>
      tpu.enqueue_indirect_dma source(%dma_start3A_244 : memref<128x128xf32, #tpu.memory_space<vmem>>) target(%dma_start3A_250 : memref<1024x128xf32, #tpu.memory_space<vmem_shared>>) offsets(%dma_start3A_247 : memref<128xi32, #tpu.memory_space<vmem>>) semaphore(%dma_start3A_252 : memref<!tpu.dma_semaphore, #tpu.memory_space<semaphore_mem>>) {add = true}
      %while3A_253 = arith.constant 0 : i32
      scf.yield %while3A_253 : i32
    }
    %sub3A_155 = arith.constant 1 : i32
    %sub3A_156 = arith.subi %select_n3A, %sub3A_155 : i32
    %rem3A_157 = arith.constant 3 : i32
    %rem3A_158 = arith.remsi %sub3A_156, %rem3A_157 : i32
    %sub3A_159 = arith.constant 1 : i32
    %sub3A_160 = arith.subi %select_n3A, %sub3A_159 : i32
    %dma_wait3A_161 = arith.constant 1 : i32
    %dma_wait3A_162 = arith.constant 0 : i32
    %dma_wait3A_163 = arith.constant 0 : i32
    %dma_wait3A_164 = tpu.memref_slice %arg9[%rem3A_158, %dma_wait3A_162, %dma_wait3A_163] : memref<3x128x128xf32, #tpu.memory_space<vmem>> -> memref<1x128x128xf32, #tpu.memory_space<vmem>>
    %dma_wait3A_165 = tpu.memref_squeeze %dma_wait3A_164 : memref<1x128x128xf32, #tpu.memory_space<vmem>> -> memref<128x128xf32, #tpu.memory_space<vmem>>
    %dma_wait3A_166 = arith.constant 0 : i32
    %dma_wait3A_167 = tpu.memref_slice %arg8[%dma_wait3A_161, %sub3A_160, %dma_wait3A_166] : memref<2x32x128xi32, #tpu.memory_space<vmem>> -> memref<1x1x128xi32, #tpu.memory_space<vmem>>
    %dma_wait3A_168 = tpu.memref_squeeze %dma_wait3A_167 : memref<1x1x128xi32, #tpu.memory_space<vmem>> -> memref<128xi32, #tpu.memory_space<vmem>>
    %dma_wait3A_169 = arith.constant 0 : i32
    %dma_wait3A_170 = arith.constant 0 : i32
    %dma_wait3A_171 = tpu.memref_slice %arg11[%dma_wait3A_169, %dma_wait3A_170] : memref<1024x128xf32, #tpu.memory_space<vmem_shared>> -> memref<1024x128xf32, #tpu.memory_space<vmem_shared>>
    %dma_wait3A_172 = tpu.memref_slice %arg14[%rem3A_158] : memref<3x!tpu.dma_semaphore, #tpu.memory_space<semaphore_mem>> -> memref<1x!tpu.dma_semaphore, #tpu.memory_space<semaphore_mem>>
    %dma_wait3A_173 = tpu.memref_squeeze %dma_wait3A_172 : memref<1x!tpu.dma_semaphore, #tpu.memory_space<semaphore_mem>> -> memref<!tpu.dma_semaphore, #tpu.memory_space<semaphore_mem>>
    tpu.wait_indirect_dma semaphore(%dma_wait3A_173 : memref<!tpu.dma_semaphore, #tpu.memory_space<semaphore_mem>>) src(%dma_wait3A_165 : memref<128x128xf32, #tpu.memory_space<vmem>>) dst(%dma_wait3A_171 : memref<1024x128xf32, #tpu.memory_space<vmem_shared>>)
    %barrier3A_174 = arith.constant 0 : index
    tpu.barrier barrier_id(%barrier3A_174)
    "tpu.region"() ({
      %run_scoped3A = tpu.sem_alloc : memref<!tpu.dma_semaphore, #tpu.memory_space<semaphore_mem>>
      %dma_start3A_175 = arith.constant 0 : i32
      %dma_start3A_176 = tpu.memref_slice %arg6[%arg0, %mul3A_2, %dma_start3A_175] : memref<2x1024x128xf32, #tpu.memory_space<hbm>> -> memref<1x64x128xf32, #tpu.memory_space<hbm>>
      %dma_start3A_177 = tpu.memref_squeeze %dma_start3A_176 : memref<1x64x128xf32, #tpu.memory_space<hbm>> -> memref<64x128xf32, #tpu.memory_space<hbm>>
      %dma_start3A_178 = arith.constant 0 : i32
      %dma_start3A_179 = tpu.memref_slice %arg11[%mul3A_2, %dma_start3A_178] : memref<1024x128xf32, #tpu.memory_space<vmem_shared>> -> memref<64x128xf32, #tpu.memory_space<vmem_shared>>
      tpu.enqueue_dma source(%dma_start3A_179 : memref<64x128xf32, #tpu.memory_space<vmem_shared>>) target(%dma_start3A_177 : memref<64x128xf32, #tpu.memory_space<hbm>>) target_semaphore(%run_scoped3A : memref<!tpu.dma_semaphore, #tpu.memory_space<semaphore_mem>>)
      %dma_wait3A_180 = arith.constant 0 : i32
      %dma_wait3A_181 = tpu.memref_slice %arg6[%arg0, %mul3A_2, %dma_wait3A_180] : memref<2x1024x128xf32, #tpu.memory_space<hbm>> -> memref<1x64x128xf32, #tpu.memory_space<hbm>>
      %dma_wait3A_182 = tpu.memref_squeeze %dma_wait3A_181 : memref<1x64x128xf32, #tpu.memory_space<hbm>> -> memref<64x128xf32, #tpu.memory_space<hbm>>
      %dma_wait3A_183 = arith.constant 0 : i32
      %dma_wait3A_184 = tpu.memref_slice %arg11[%mul3A_2, %dma_wait3A_183] : memref<1024x128xf32, #tpu.memory_space<vmem_shared>> -> memref<64x128xf32, #tpu.memory_space<vmem_shared>>
      tpu.wait_dma2 semaphore(%run_scoped3A : memref<!tpu.dma_semaphore, #tpu.memory_space<semaphore_mem>>) src(%dma_wait3A_184 : memref<64x128xf32, #tpu.memory_space<vmem_shared>>) dst(%dma_wait3A_182 : memref<64x128xf32, #tpu.memory_space<hbm>>)
      tpu.yield
    }) : () -> ()
    "tpu.region"() ({
      %run_scoped3A = tpu.sem_alloc : memref<!tpu.dma_semaphore, #tpu.memory_space<semaphore_mem>>
      %dma_start3A_175 = arith.constant 0 : i32
      %dma_start3A_176 = tpu.memref_slice %arg7[%arg0, %arg1, %dma_start3A_175] : memref<2x16x1024xf32, #tpu.memory_space<hbm>> -> memref<1x1x1024xf32, #tpu.memory_space<hbm>>
      %dma_start3A_177 = tpu.memref_squeeze %dma_start3A_176 : memref<1x1x1024xf32, #tpu.memory_space<hbm>> -> memref<1024xf32, #tpu.memory_space<hbm>>
      %dma_start3A_178 = arith.constant 0 : i32
      %dma_start3A_179 = tpu.memref_slice %arg7[%arg0, %arg1, %dma_start3A_178] : memref<2x16x1024xf32, #tpu.memory_space<hbm>> -> memref<1x1x1024xf32, #tpu.memory_space<hbm>>
      %dma_start3A_180 = tpu.memref_squeeze %dma_start3A_179 : memref<1x1x1024xf32, #tpu.memory_space<hbm>> -> memref<1024xf32, #tpu.memory_space<hbm>>
      tpu.enqueue_dma source(%arg10 : memref<1024xf32, #tpu.memory_space<vmem>>) target(%dma_start3A_180 : memref<1024xf32, #tpu.memory_space<hbm>>) target_semaphore(%run_scoped3A : memref<!tpu.dma_semaphore, #tpu.memory_space<semaphore_mem>>)
      %dma_wait3A_181 = arith.constant 0 : i32
      %dma_wait3A_182 = tpu.memref_slice %arg7[%arg0, %arg1, %dma_wait3A_181] : memref<2x16x1024xf32, #tpu.memory_space<hbm>> -> memref<1x1x1024xf32, #tpu.memory_space<hbm>>
      %dma_wait3A_183 = tpu.memref_squeeze %dma_wait3A_182 : memref<1x1x1024xf32, #tpu.memory_space<hbm>> -> memref<1024xf32, #tpu.memory_space<hbm>>
      %dma_wait3A_184 = arith.constant 0 : i32
      %dma_wait3A_185 = tpu.memref_slice %arg7[%arg0, %arg1, %dma_wait3A_184] : memref<2x16x1024xf32, #tpu.memory_space<hbm>> -> memref<1x1x1024xf32, #tpu.memory_space<hbm>>
      %dma_wait3A_186 = tpu.memref_squeeze %dma_wait3A_185 : memref<1x1x1024xf32, #tpu.memory_space<hbm>> -> memref<1024xf32, #tpu.memory_space<hbm>>
      tpu.wait_dma2 semaphore(%run_scoped3A : memref<!tpu.dma_semaphore, #tpu.memory_space<semaphore_mem>>) src(%arg10 : memref<1024xf32, #tpu.memory_space<vmem>>) dst(%dma_wait3A_186 : memref<1024xf32, #tpu.memory_space<hbm>>)
      tpu.yield
    }) : () -> ()
    return
  }
}

module attributes {stable_mosaic.version = 14 : i64} {
  func.func @_dense_body(%arg0: i32, %arg1: memref<2x5120x128xf32, #tpu.memory_space<vmem>>, %arg2: memref<32x5120xf32, #tpu.memory_space<vmem>>, %arg3: memref<5000x128xf32, #tpu.memory_space<vmem>>, %arg4: memref<128x128xf32, #tpu.memory_space<vmem>>, %arg5: memref<128x128xf32, #tpu.memory_space<vmem>>, %arg6: memref<1x128xf32, #tpu.memory_space<vmem>>, %arg7: memref<5000x128xf32, #tpu.memory_space<vmem>>) attributes {dimension_semantics = [#tpu.dimension_semantics<arbitrary>], iteration_bounds = array<i64: 1>, scalar_prefetch = 0 : i64, scratch_operands = 0 : i64, tpu.core_type = #tpu.core_type<tc>, window_params = [{pipeline_mode = #tpu.pipeline_mode<synchronous>, transform_indices = @transform_0, window_bounds = array<i64: 2, 5120, 128>}, {pipeline_mode = #tpu.pipeline_mode<synchronous>, transform_indices = @transform_1, window_bounds = array<i64: 32, 5120>}, {transform_indices = @transform_2, window_bounds = array<i64: 5000, 128>}, {pipeline_mode = #tpu.pipeline_mode<synchronous>, transform_indices = @transform_3, window_bounds = array<i64: 128, 128>}, {pipeline_mode = #tpu.pipeline_mode<synchronous>, transform_indices = @transform_4, window_bounds = array<i64: 128, 128>}, {pipeline_mode = #tpu.pipeline_mode<synchronous>, transform_indices = @transform_5, window_bounds = array<i64: 1, 128>}, {pipeline_mode = #tpu.pipeline_mode<synchronous>, transform_indices = @transform_6, window_bounds = array<i64: 5000, 128>}]} {
    %get3A = arith.constant 0 : index
    %get3A_0 = arith.constant 0 : index
    %get3A_1 = arith.constant 0 : index
    %get3A_2 = vector.load %arg1[%get3A, %get3A_0, %get3A_1] : memref<2x5120x128xf32, #tpu.memory_space<vmem>>, vector<1x5120x128xf32>
    %get3A_3 = vector.shape_cast %get3A_2 : vector<1x5120x128xf32> to vector<5120x128xf32>
    %get3A_4 = arith.constant 1 : index
    %get3A_5 = arith.constant 0 : index
    %get3A_6 = arith.constant 0 : index
    %get3A_7 = vector.load %arg1[%get3A_4, %get3A_5, %get3A_6] : memref<2x5120x128xf32, #tpu.memory_space<vmem>>, vector<1x5120x128xf32>
    %get3A_8 = vector.shape_cast %get3A_7 : vector<1x5120x128xf32> to vector<5120x128xf32>
    %add3A = arith.addf %get3A_3, %get3A_8 : vector<5120x128xf32>
    %get3A_9 = arith.constant 0 : index
    %get3A_10 = arith.constant 0 : index
    %get3A_11 = vector.load %arg2[%get3A_9, %get3A_10] : memref<32x5120xf32, #tpu.memory_space<vmem>>, vector<32x5120xf32>
    %broadcast_in_dim3A = arith.constant 1.000000e+00 : f32
    %broadcast_in_dim3A_12 = vector.broadcast %broadcast_in_dim3A : f32 to vector<32x1xf32>
    %dot_general3A = arith.constant dense<0.000000e+00> : vector<5120x1xf32>
    %dot_general3A_13 = tpu.matmul %get3A_11, %broadcast_in_dim3A_12, %dot_general3A {dimension_numbers = #tpu.dot_dimension_numbers<[0], [0], [1], [1], [0, 1, 1, 1], [], []>, transpose_lhs_hint = false} : vector<32x5120xf32>, vector<32x1xf32>, vector<5120x1xf32> -> vector<5120x1xf32>
    %slice3A = vector.extract_strided_slice %add3A {offsets = [0, 0], sizes = [5000, 128], strides = [1, 1]} : vector<5120x128xf32> to vector<5000x128xf32>
    %slice3A_14 = vector.extract_strided_slice %dot_general3A_13 {offsets = [0, 0], sizes = [5000, 1], strides = [1, 1]} : vector<5120x1xf32> to vector<5000x1xf32>
    %max3A = arith.constant 1.000000e+00 : f32
    %max3A_15 = vector.broadcast %max3A : f32 to vector<5000x1xf32>
    %max3A_16 = arith.maximumf %slice3A_14, %max3A_15 : vector<5000x1xf32>
    %div3A = vector.broadcast %max3A_16 : vector<5000x1xf32> to vector<5000x128xf32>
    %div3A_17 = arith.divf %slice3A, %div3A : vector<5000x128xf32>
    %get3A_18 = arith.constant 0 : index
    %get3A_19 = arith.constant 0 : index
    %get3A_20 = vector.load %arg4[%get3A_18, %get3A_19] : memref<128x128xf32, #tpu.memory_space<vmem>>, vector<128x128xf32>
    %dot_general3A_21 = arith.constant dense<0.000000e+00> : vector<5000x128xf32>
    %dot_general3A_22 = tpu.matmul %div3A_17, %get3A_20, %dot_general3A_21 {dimension_numbers = #tpu.dot_dimension_numbers<[1], [1], [0], [0], [0, 0, 1, 0], [], []>, transpose_lhs_hint = false} : vector<5000x128xf32>, vector<128x128xf32>, vector<5000x128xf32> -> vector<5000x128xf32>
    %get3A_23 = arith.constant 0 : index
    %get3A_24 = arith.constant 0 : index
    %get3A_25 = vector.load %arg3[%get3A_23, %get3A_24] : memref<5000x128xf32, #tpu.memory_space<vmem>>, vector<5000x128xf32>
    %get3A_26 = arith.constant 0 : index
    %get3A_27 = arith.constant 0 : index
    %get3A_28 = vector.load %arg5[%get3A_26, %get3A_27] : memref<128x128xf32, #tpu.memory_space<vmem>>, vector<128x128xf32>
    %dot_general3A_29 = arith.constant dense<0.000000e+00> : vector<5000x128xf32>
    %dot_general3A_30 = tpu.matmul %get3A_25, %get3A_28, %dot_general3A_29 {dimension_numbers = #tpu.dot_dimension_numbers<[1], [1], [0], [0], [0, 0, 1, 0], [], []>, transpose_lhs_hint = false} : vector<5000x128xf32>, vector<128x128xf32>, vector<5000x128xf32> -> vector<5000x128xf32>
    %add3A_31 = arith.addf %dot_general3A_22, %dot_general3A_30 : vector<5000x128xf32>
    %get3A_32 = arith.constant 0 : index
    %get3A_33 = arith.constant 0 : index
    %get3A_34 = vector.load %arg6[%get3A_32, %get3A_33] : memref<1x128xf32, #tpu.memory_space<vmem>>, vector<1x128xf32>
    %add3A_35 = vector.broadcast %get3A_34 : vector<1x128xf32> to vector<5000x128xf32>
    %add3A_36 = arith.addf %add3A_31, %add3A_35 : vector<5000x128xf32>
    %max3A_37 = arith.constant 0.000000e+00 : f32
    %max3A_38 = vector.broadcast %max3A_37 : f32 to vector<5000x128xf32>
    %max3A_39 = arith.maximumf %add3A_36, %max3A_38 : vector<5000x128xf32>
    %swap3A = arith.constant 0 : index
    %swap3A_40 = arith.constant 0 : index
    %swap3A_41 = vector.load %arg7[%swap3A, %swap3A_40] : memref<5000x128xf32, #tpu.memory_space<vmem>>, vector<5000x128xf32>
    tpu.vector_store %arg7[%swap3A, %swap3A_40], %max3A_39 {strides = array<i32>} : memref<5000x128xf32, #tpu.memory_space<vmem>>, vector<5000x128xf32>,
    return
  }
  func.func @transform_0(%arg0: i32) -> (i32, i32, i32) {
    %c0_i32 = arith.constant 0 : i32
    %c0_i32_0 = arith.constant 0 : i32
    %c0_i32_1 = arith.constant 0 : i32
    %c0_i32_2 = arith.constant 0 : i32
    return %c0_i32, %c0_i32_0, %c0_i32_1 : i32, i32, i32
  }
  func.func @transform_1(%arg0: i32) -> (i32, i32) {
    %c0_i32 = arith.constant 0 : i32
    %c0_i32_0 = arith.constant 0 : i32
    %c0_i32_1 = arith.constant 0 : i32
    return %c0_i32, %c0_i32_0 : i32, i32
  }
  func.func @transform_2(%arg0: i32) -> (i32, i32) {
    %c0_i32 = arith.constant 0 : i32
    %c0_i32_0 = arith.constant 0 : i32
    %c0_i32_1 = arith.constant 0 : i32
    return %c0_i32, %c0_i32_0 : i32, i32
  }
  func.func @transform_3(%arg0: i32) -> (i32, i32) {
    %c0_i32 = arith.constant 0 : i32
    %c0_i32_0 = arith.constant 0 : i32
    %c0_i32_1 = arith.constant 0 : i32
    return %c0_i32, %c0_i32_0 : i32, i32
  }
  func.func @transform_4(%arg0: i32) -> (i32, i32) {
    %c0_i32 = arith.constant 0 : i32
    %c0_i32_0 = arith.constant 0 : i32
    %c0_i32_1 = arith.constant 0 : i32
    return %c0_i32, %c0_i32_0 : i32, i32
  }
  func.func @transform_5(%arg0: i32) -> (i32, i32) {
    %c0_i32 = arith.constant 0 : i32
    %c0_i32_0 = arith.constant 0 : i32
    %c0_i32_1 = arith.constant 0 : i32
    return %c0_i32, %c0_i32_0 : i32, i32
  }
  func.func @transform_6(%arg0: i32) -> (i32, i32) {
    %c0_i32 = arith.constant 0 : i32
    %c0_i32_0 = arith.constant 0 : i32
    %c0_i32_1 = arith.constant 0 : i32
    return %c0_i32, %c0_i32_0 : i32, i32
  }
}

module attributes {stable_mosaic.version = 14 : i64} {
  func.func @_dense_body(%arg0: i32, %arg1: memref<2x1024x128xf32, #tpu.memory_space<vmem>>, %arg2: memref<32x1024xf32, #tpu.memory_space<vmem>>, %arg3: memref<1000x128xf32, #tpu.memory_space<vmem>>, %arg4: memref<128x128xf32, #tpu.memory_space<vmem>>, %arg5: memref<128x128xf32, #tpu.memory_space<vmem>>, %arg6: memref<1x128xf32, #tpu.memory_space<vmem>>, %arg7: memref<1000x128xf32, #tpu.memory_space<vmem>>) attributes {dimension_semantics = [#tpu.dimension_semantics<arbitrary>], iteration_bounds = array<i64: 1>, scalar_prefetch = 0 : i64, scratch_operands = 0 : i64, tpu.core_type = #tpu.core_type<tc>, window_params = [{pipeline_mode = #tpu.pipeline_mode<synchronous>, transform_indices = @transform_0, window_bounds = array<i64: 2, 1024, 128>}, {pipeline_mode = #tpu.pipeline_mode<synchronous>, transform_indices = @transform_1, window_bounds = array<i64: 32, 1024>}, {transform_indices = @transform_2, window_bounds = array<i64: 1000, 128>}, {pipeline_mode = #tpu.pipeline_mode<synchronous>, transform_indices = @transform_3, window_bounds = array<i64: 128, 128>}, {pipeline_mode = #tpu.pipeline_mode<synchronous>, transform_indices = @transform_4, window_bounds = array<i64: 128, 128>}, {pipeline_mode = #tpu.pipeline_mode<synchronous>, transform_indices = @transform_5, window_bounds = array<i64: 1, 128>}, {pipeline_mode = #tpu.pipeline_mode<synchronous>, transform_indices = @transform_6, window_bounds = array<i64: 1000, 128>}]} {
    %get3A = arith.constant 0 : index
    %get3A_0 = arith.constant 0 : index
    %get3A_1 = arith.constant 0 : index
    %get3A_2 = vector.load %arg1[%get3A, %get3A_0, %get3A_1] : memref<2x1024x128xf32, #tpu.memory_space<vmem>>, vector<1x1024x128xf32>
    %get3A_3 = vector.shape_cast %get3A_2 : vector<1x1024x128xf32> to vector<1024x128xf32>
    %get3A_4 = arith.constant 1 : index
    %get3A_5 = arith.constant 0 : index
    %get3A_6 = arith.constant 0 : index
    %get3A_7 = vector.load %arg1[%get3A_4, %get3A_5, %get3A_6] : memref<2x1024x128xf32, #tpu.memory_space<vmem>>, vector<1x1024x128xf32>
    %get3A_8 = vector.shape_cast %get3A_7 : vector<1x1024x128xf32> to vector<1024x128xf32>
    %add3A = arith.addf %get3A_3, %get3A_8 : vector<1024x128xf32>
    %get3A_9 = arith.constant 0 : index
    %get3A_10 = arith.constant 0 : index
    %get3A_11 = vector.load %arg2[%get3A_9, %get3A_10] : memref<32x1024xf32, #tpu.memory_space<vmem>>, vector<32x1024xf32>
    %broadcast_in_dim3A = arith.constant 1.000000e+00 : f32
    %broadcast_in_dim3A_12 = vector.broadcast %broadcast_in_dim3A : f32 to vector<32x1xf32>
    %dot_general3A = arith.constant dense<0.000000e+00> : vector<1024x1xf32>
    %dot_general3A_13 = tpu.matmul %get3A_11, %broadcast_in_dim3A_12, %dot_general3A {dimension_numbers = #tpu.dot_dimension_numbers<[0], [0], [1], [1], [0, 1, 1, 1], [], []>, transpose_lhs_hint = false} : vector<32x1024xf32>, vector<32x1xf32>, vector<1024x1xf32> -> vector<1024x1xf32>
    %slice3A = vector.extract_strided_slice %add3A {offsets = [0, 0], sizes = [1000, 128], strides = [1, 1]} : vector<1024x128xf32> to vector<1000x128xf32>
    %slice3A_14 = vector.extract_strided_slice %dot_general3A_13 {offsets = [0, 0], sizes = [1000, 1], strides = [1, 1]} : vector<1024x1xf32> to vector<1000x1xf32>
    %max3A = arith.constant 1.000000e+00 : f32
    %max3A_15 = vector.broadcast %max3A : f32 to vector<1000x1xf32>
    %max3A_16 = arith.maximumf %slice3A_14, %max3A_15 : vector<1000x1xf32>
    %div3A = vector.broadcast %max3A_16 : vector<1000x1xf32> to vector<1000x128xf32>
    %div3A_17 = arith.divf %slice3A, %div3A : vector<1000x128xf32>
    %get3A_18 = arith.constant 0 : index
    %get3A_19 = arith.constant 0 : index
    %get3A_20 = vector.load %arg4[%get3A_18, %get3A_19] : memref<128x128xf32, #tpu.memory_space<vmem>>, vector<128x128xf32>
    %dot_general3A_21 = arith.constant dense<0.000000e+00> : vector<1000x128xf32>
    %dot_general3A_22 = tpu.matmul %div3A_17, %get3A_20, %dot_general3A_21 {dimension_numbers = #tpu.dot_dimension_numbers<[1], [1], [0], [0], [0, 0, 1, 0], [], []>, transpose_lhs_hint = false} : vector<1000x128xf32>, vector<128x128xf32>, vector<1000x128xf32> -> vector<1000x128xf32>
    %get3A_23 = arith.constant 0 : index
    %get3A_24 = arith.constant 0 : index
    %get3A_25 = vector.load %arg3[%get3A_23, %get3A_24] : memref<1000x128xf32, #tpu.memory_space<vmem>>, vector<1000x128xf32>
    %get3A_26 = arith.constant 0 : index
    %get3A_27 = arith.constant 0 : index
    %get3A_28 = vector.load %arg5[%get3A_26, %get3A_27] : memref<128x128xf32, #tpu.memory_space<vmem>>, vector<128x128xf32>
    %dot_general3A_29 = arith.constant dense<0.000000e+00> : vector<1000x128xf32>
    %dot_general3A_30 = tpu.matmul %get3A_25, %get3A_28, %dot_general3A_29 {dimension_numbers = #tpu.dot_dimension_numbers<[1], [1], [0], [0], [0, 0, 1, 0], [], []>, transpose_lhs_hint = false} : vector<1000x128xf32>, vector<128x128xf32>, vector<1000x128xf32> -> vector<1000x128xf32>
    %add3A_31 = arith.addf %dot_general3A_22, %dot_general3A_30 : vector<1000x128xf32>
    %get3A_32 = arith.constant 0 : index
    %get3A_33 = arith.constant 0 : index
    %get3A_34 = vector.load %arg6[%get3A_32, %get3A_33] : memref<1x128xf32, #tpu.memory_space<vmem>>, vector<1x128xf32>
    %add3A_35 = vector.broadcast %get3A_34 : vector<1x128xf32> to vector<1000x128xf32>
    %add3A_36 = arith.addf %add3A_31, %add3A_35 : vector<1000x128xf32>
    %reduce_max3A = arith.constant dense<0xFF800000> : vector<1000xf32>
    %reduce_max3A_37 = vector.multi_reduction <maximumf>, %add3A_36, %reduce_max3A [1] : vector<1000x128xf32> to vector<1000xf32>
    %broadcast_in_dim3A_38 = vector.shape_cast %reduce_max3A_37 : vector<1000xf32> to vector<1000x1xf32>
    %sub3A = vector.broadcast %broadcast_in_dim3A_38 : vector<1000x1xf32> to vector<1000x128xf32>
    %sub3A_39 = arith.subf %add3A_36, %sub3A : vector<1000x128xf32>
    %exp3A = math.exp %sub3A_39 : vector<1000x128xf32>
    %reduce_sum3A = arith.constant dense<0.000000e+00> : vector<1000xf32>
    %reduce_sum3A_40 = vector.multi_reduction <add>, %exp3A, %reduce_sum3A [1] : vector<1000x128xf32> to vector<1000xf32>
    %broadcast_in_dim3A_41 = vector.shape_cast %reduce_sum3A_40 : vector<1000xf32> to vector<1000x1xf32>
    %log3A = math.log %broadcast_in_dim3A_41 : vector<1000x1xf32>
    %sub3A_42 = vector.broadcast %log3A : vector<1000x1xf32> to vector<1000x128xf32>
    %sub3A_43 = arith.subf %sub3A_39, %sub3A_42 : vector<1000x128xf32>
    %swap3A = arith.constant 0 : index
    %swap3A_44 = arith.constant 0 : index
    %swap3A_45 = vector.load %arg7[%swap3A, %swap3A_44] : memref<1000x128xf32, #tpu.memory_space<vmem>>, vector<1000x128xf32>
    tpu.vector_store %arg7[%swap3A, %swap3A_44], %sub3A_43 {strides = array<i32>} : memref<1000x128xf32, #tpu.memory_space<vmem>>, vector<1000x128xf32>,
    return
  }
  func.func @transform_0(%arg0: i32) -> (i32, i32, i32) {
    %c0_i32 = arith.constant 0 : i32
    %c0_i32_0 = arith.constant 0 : i32
    %c0_i32_1 = arith.constant 0 : i32
    %c0_i32_2 = arith.constant 0 : i32
    return %c0_i32, %c0_i32_0, %c0_i32_1 : i32, i32, i32
  }
  func.func @transform_1(%arg0: i32) -> (i32, i32) {
    %c0_i32 = arith.constant 0 : i32
    %c0_i32_0 = arith.constant 0 : i32
    %c0_i32_1 = arith.constant 0 : i32
    return %c0_i32, %c0_i32_0 : i32, i32
  }
  func.func @transform_2(%arg0: i32) -> (i32, i32) {
    %c0_i32 = arith.constant 0 : i32
    %c0_i32_0 = arith.constant 0 : i32
    %c0_i32_1 = arith.constant 0 : i32
    return %c0_i32, %c0_i32_0 : i32, i32
  }
  func.func @transform_3(%arg0: i32) -> (i32, i32) {
    %c0_i32 = arith.constant 0 : i32
    %c0_i32_0 = arith.constant 0 : i32
    %c0_i32_1 = arith.constant 0 : i32
    return %c0_i32, %c0_i32_0 : i32, i32
  }
  func.func @transform_4(%arg0: i32) -> (i32, i32) {
    %c0_i32 = arith.constant 0 : i32
    %c0_i32_0 = arith.constant 0 : i32
    %c0_i32_1 = arith.constant 0 : i32
    return %c0_i32, %c0_i32_0 : i32, i32
  }
  func.func @transform_5(%arg0: i32) -> (i32, i32) {
    %c0_i32 = arith.constant 0 : i32
    %c0_i32_0 = arith.constant 0 : i32
    %c0_i32_1 = arith.constant 0 : i32
    return %c0_i32, %c0_i32_0 : i32, i32
  }
  func.func @transform_6(%arg0: i32) -> (i32, i32) {
    %c0_i32 = arith.constant 0 : i32
    %c0_i32_0 = arith.constant 0 : i32
    %c0_i32_1 = arith.constant 0 : i32
    return %c0_i32, %c0_i32_0 : i32, i32
  }
}

</mosaic_0001>

<sc_bundles>
// kernel: kernel.6.cloned.1.call-start
scs
__scs_entry_jumppad:
0x0: {  	(pc) =	sbr.rel $0x88, $3  }
0x1: {  	(tag) =	ssettag $0x0;
	lr =	simm.s32 $0x1  }
0x2: {  	[smem:$0x3F96] =	sst lr;
	_ =	strace $0xD0000000  }
0x3: {  	_ = 	snop  }
0x4: {  	_ = 	snop  }
0x5: {  	_ = 	snop  }
0x6: {  	_ = 	snop  }
0x7: {  	_ = 	snop  }
__scs_overlays_trampoline_lowered:
0x8: {  	[smem:$0x3FA5] =	sst s0  }
0x9: {  	[smem:$0x3FA6] =	sst s1  }
0xa: {  	[smem:$0x3FA7] =	sst s2  }
0xb: {  	[smem:$0x3FA8] =	sst s3  }
0xc: {  	[smem:$0x3FA9] =	sst s4  }
0xd: {  	[smem:$0x3FAA] =	sst s5  }
0xe: {  	[smem:$0x3FAB] =	sst s6  }
0xf: {  	[smem:$0x3FAC] =	sst s7  }
0x10: {  	[smem:$0x3FAD] =	sst s8  }
0x11: {  	[smem:$0x3FAE] =	sst s9;
	s0 =	simm.s32 @!p0 $0x0  }
0x12: {  	s1 =	sld [smem:$0x3F94];
	s0 =	simm.s32 @p0 $0x1  }
0x13: {  	[smem:$0x3FAF] =	sst s0;
	s0 =	simm.s32 @!p1 $0x0  }
0x14: {  	s2 =	sld [smem:$0x3F93];
	s0 =	simm.s32 @p1 $0x1  }
0x15: {  	[smem:$0x3FB0] =	sst s0;
	s0 =	simm.s32 @!p2 $0x0  }
0x16: {  	s3 =	sld [smem:$0x3FDB];
	s0 =	simm.s32 @p2 $0x1  }
0x17: {  	s4 =	simm.s32 $0x1BF5;
	[smem:$0x3FB2] =	sst s0  }
0x18: {  	s0 =	sld [smem:$0x3F95];
	_ =	swait.ge [sflag:s4], $0x0  }
0x19: {  	s7 =	sld [smem:$0x3F96]  }
0x1a: {  	s8 =	sadd.s32 $0xFFFFE003, lr  }
0x1b: {  	s9 =	sadd.s32 $0xFFFFFEF7, lr;
	s5 =	simm.s32 $0xFFFFFFFF;
	p2 =	slt.u32 s8, $0xFFFFF086  }
0x1c: {  	p1 =	slt.u32 s9, $0xF7A;
	s5 =	simm.s32 @!p2 $0x0  }
0x1d: {  	s5 =	simm.s32 @p1 $0x1;
	p0 =	seq.s32 s7, s2  }
0x1e: {  	s7 =	smul.u32 @!p0 $0xF7A, s2;
	p2 =	seq.s32 @!p0 s5, $0x0  }
0x1f: {  	s9 =	smul.u32 $0xF7A, s1;
	s8 =	simm.s32 @!p0 $0x1BF5;
	p2 =	por !p2, p0  }
0x20: {  	[sflag:s8] =	ssyncset.s32 @!p0 $0xFFFFF086;
	s6 =	sadd.s32 @!p0 s3, s7;
	s7 =	simm.s32 @!p0 $0x108  }
0x21: {  	s3 =	sadd.s32 s3, s9;
	s6 =	sadd.s32 @!p0 $0x88, s6;
	s7 =	simm.s32 @p2 $0x1082  }
0x22: {  	[simem:s7], [sflag:s8] =	dma.local @!p0 [hbm:s6], $0xF7A  }
0x23: {  	s9 =	sor.u32 $0xD0000000, s2;
	s6 =	simm.s32 $0x108;
	_ =	swait.ge @!p0 [sflag:s8], $0x0  }
0x24: {  	s3 =	sadd.s32 $0x88, s3;
	s6 =	simm.s32 @!p1 $0x1082;
	[sflag:s4] =	ssyncset.s32 $0xFFFFF086  }
0x25: {  	[simem:s6], [sflag:s4] =	dma.local [hbm:s3], $0xF7A  }
0x26: {  	[smem:$0x3F96] =	sst s1;
	(tag) =	ssettag s2;
	_ =	strace s9  }
0x27: {  	s1 =	sld [smem:$0x3FA6]  }
0x28: {  	s2 =	sld [smem:$0x3FA7]  }
0x29: {  	s4 =	sld [smem:$0x3FA9]  }
0x2a: {  	p0 =	seq.s32 s5, $0x0;
	s5 =	sld [smem:$0x3FAA]  }
0x2b: {  	s6 =	sld [smem:$0x3FAB]  }
0x2c: {  	s7 =	sld [smem:$0x3FAC]  }
0x2d: {  	s3 =	simm.s32 $0x108;
	s8 =	sld [smem:$0x3FAD]  }
0x2e: {  	s3 =	simm.s32 @!p0 $0x1082;
	s9 =	sld [smem:$0x3FAE]  }
0x2f: {  	lr =	sadd.s32 s0, s3;
	s0 =	sld [smem:$0x3FA5]  }
0x30: {  	s3 =	sld [smem:$0x3FA8]  }
0x31: {  	[smem:$0x3FB1] =	sst s10  }
0x32: {  	s10 =	sld [smem:$0x3FAF];
	_ =	sdelay $0x3  }
0x33: {  	p0 =	seq.s32 s10, $0x1;
	s10 =	sld [smem:$0x3FB1];
	_ =	sdelay $0x3  }
0x34: {  	[smem:$0x3FB1] =	sst s10  }
0x35: {  	s10 =	sld [smem:$0x3FB0];
	_ =	sdelay $0x3  }
0x36: {  	p1 =	seq.s32 s10, $0x1;
	s10 =	sld [smem:$0x3FB1];
	_ =	sdelay $0x3  }
0x37: {  	[smem:$0x3FB1] =	sst s10  }
0x38: {  	s10 =	sld [smem:$0x3FB2]  }
0x39: {  	_ = 	snop;
	(pc) =	sbr.ind lr, $3  }
0x3a: {  	_ = 	snop  }
0x3b: {  	_ = 	snop  }
0x3c: {  	p2 =	seq.s32 s10, $0x1;
	s10 =	sld [smem:$0x3FB1]  }
0x3d: {  	_ =	shalt  }
0x3e: {  	_ =	shalt  }
0x3f: {  	_ =	shalt  }
0x40: {  	_ =	shalt  }
0x41: {  	_ =	shalt  }
0x42: {  	_ =	shalt  }
0x43: {  	_ =	shalt  }
0x44: {  	_ =	shalt  }
0x45: {  	_ =	shalt  }
0x46: {  	_ =	shalt  }
0x47: {  	_ =	shalt  }
0x48: {  	_ =	shalt  }
0x49: {  	_ =	shalt  }
0x4a: {  	_ =	shalt  }
0x4b: {  	_ =	shalt  }
0x4c: {  	_ =	shalt  }
0x4d: {  	_ =	shalt  }
0x4e: {  	_ =	shalt  }
0x4f: {  	_ =	shalt  }
0x50: {  	_ =	shalt  }
0x51: {  	_ =	shalt  }
0x52: {  	_ =	shalt  }
0x53: {  	_ =	shalt  }
0x54: {  	_ =	shalt  }
0x55: {  	_ =	shalt  }
0x56: {  	_ =	shalt  }
0x57: {  	_ =	shalt  }
0x58: {  	_ =	shalt  }
0x59: {  	_ =	shalt  }
0x5a: {  	_ =	shalt  }
0x5b: {  	_ =	shalt  }
0x5c: {  	_ =	shalt  }
0x5d: {  	_ =	shalt  }
0x5e: {  	_ =	shalt  }
0x5f: {  	_ =	shalt  }
0x60: {  	_ =	shalt  }
0x61: {  	_ =	shalt  }
0x62: {  	_ =	shalt  }
0x63: {  	_ =	shalt  }
0x64: {  	_ =	shalt  }
0x65: {  	_ =	shalt  }
0x66: {  	_ =	shalt  }
0x67: {  	_ =	shalt  }
0x68: {  	_ =	shalt  }
0x69: {  	_ =	shalt  }
0x6a: {  	_ =	shalt  }
0x6b: {  	_ =	shalt  }
0x6c: {  	_ =	shalt  }
0x6d: {  	_ =	shalt  }
0x6e: {  	_ =	shalt  }
0x6f: {  	_ =	shalt  }
0x70: {  	_ =	shalt  }
0x71: {  	_ =	shalt  }
0x72: {  	_ =	shalt  }
0x73: {  	_ =	shalt  }
0x74: {  	_ =	shalt  }
0x75: {  	_ =	shalt  }
0x76: {  	_ =	shalt  }
0x77: {  	_ =	shalt  }
0x78: {  	_ =	shalt  }
0x79: {  	_ =	shalt  }
0x7a: {  	_ =	shalt  }
0x7b: {  	_ =	shalt  }
0x7c: {  	_ =	shalt  }
0x7d: {  	_ =	shalt  }
0x7e: {  	_ =	shalt  }
0x7f: {  	_ =	shalt  }
0x80: {  	_ =	shalt  }
0x81: {  	_ =	shalt  }
0x82: {  	_ =	shalt  }
0x83: {  	_ =	shalt  }
0x84: {  	_ =	shalt  }
0x85: {  	_ =	shalt  }
0x86: {  	_ =	shalt  }
0x87: {  	_ =	shalt  }
.Lfunc_end0:
.L_simem_size_0:
called_computation_lowered:
.L_overlay_start_0:
0x88: {  	s2 =	sld [smem:$0x3FD9]  }
0x89: {  	s3 =	sld [smem:$0x3FFE];
	_ =	sdelay $0x1  }
0x8a: {  	s1 =	srdreg.scid  }
0x8b: {  	s0 =	sand.u32 $0x1, s1  }
0x8c: {  	s17 =	sshll.u32 s0, $0xA;
	s2 =	sadd.s32 s3, s2  }
0x8d: {  	s2 =	sadd.s32 s2, s17  }
0x8e: {  	[smem:$0x3FBD] =	sst s2  }
0x8f: {  	_ = 	snop  }
0x90: {  	s2 =	sld [smem:$0x3FC9]  }
0x91: {  	s18 =	sld [smem:$0x3FC8]  }
0x92: {  	s4 =	sld [smem:$0x3FC7];
	(tm) =	ssettm $0x1  }
0x93: {  	s5 =	sld [smem:$0x3FFB];
	_ =	sdelay $0x3  }
0x94: {  	_ =	strace s5  }
0x95: {  	s5 =	sld [smem:$0x3FFC];
	_ =	sdelay $0x3  }
0x96: {  	_ =	strace s5  }
0x97: {  	s5 =	sld [smem:$0x3FFD];
	_ =	sdelay $0x3  }
0x98: {  	_ =	strace s5  }
0x99: {  	_ =	strace $0x8FFFFFFF  }
0x9a: {  	s19 =	sld [smem:$0x3FDB];
	_ =	sdelay $0x1  }
0x9b: {  	s6 =	simm.s32 $_scs_section_size  }
0x9c: {  	s7 =	simm.s32 $_size__tile_overlayer_lowered;
	s8 =	simm.s32 $_tile_overlayer_lowered  }
0x9d: {  	s22 =	simm.s32 $0x1BFF;
	s21 =	sshll.u32 s8, $0x1;
	s5 =	sadd.s32 s6, s19  }
0x9e: {  	s9 =	simm.s32 $0x0;
	s20 =	sshll.u32 s7, $0x1;
	s7 =	sadd.s32 s21, s5  }
0x9f: {  	[timem:s9], [sflag:s22] =	dma.local [hbm:s7], s20  }
0xa0: {  	_ =	swait.ge [sflag:s22], s20  }
0xa1: {  	s6 =	ssub.s32 $0x0, s20;
	[sflag:s22] =	ssyncset.done $0x0  }
0xa2: {  	[sflag:s22] =	ssyncadd.s32 s6;
	_ =	sdelay $0x1  }
0xa3: {  	s23 =	simm.s32 $0x1B8B  }
0xa4: {  	_ =	swait.ge [sflag:s23], $0x1  }
0xa5: {  	[sflag:s23] =	ssyncset.done $0x0  }
0xa6: {  	s25 =	simm.s32 $0x1B8E;
	s24 =	sld [smem:$0x3FFE];
	[sflag:s23] =	ssyncadd.s32 $0xFFFFFFFF  }
0xa7: {  	s26 =	simm.s32 $execute0_lowered;
	[smem:$0x3FD2] =	sst s25  }
0xa8: {  	s7 =	sshll.u32 s26, $0x1;
	_ =	strace $0x80000046;
	[dreg:$0x1] =	wrdreg $0xFFFFFFFF  }
0xa9: {  	s28 =	simm.s32 $_size_execute0_lowered;
	s5 =	sadd.s32 s5, s7;
	[dreg:$0x0] =	wrdreg $0x0  }
0xaa: {  	s7 =	sshll.u32 s28, $0x1;
	[dreg:$0x2] =	wrdreg s5  }
0xab: {  	[dreg:$0x3] =	wrdreg s7  }
0xac: {  	[dreg:$0x4] =	wrdreg $0xC0  }
0xad: {  	_ =	task [dreg:s9], $0x5FFFF  }
0xae: {  	[dreg:$0x1] =	wrdreg $0xFFFFFFFF  }
0xaf: {  	[dreg:$0x0] =	wrdreg $0x60  }
0xb0: {  	[dreg:$0x2] =	wrdreg s2  }
0xb1: {  	[dreg:$0x3] =	wrdreg s18  }
0xb2: {  	[dreg:$0x4] =	wrdreg s4  }
0xb3: {  	[dreg:$0x5] =	wrdreg s24  }
0xb4: {  	[dreg:$0x6] =	wrdreg $0x124000  }
0xb5: {  	[dreg:$0x7] =	wrdreg $0x9  }
0xb6: {  	_ =	task.clear_ibuf [dreg:s9], $0x8FFFF;
	_ =	strace $0x90000046  }
0xb7: {  	s29 =	simm.s32 $0x9;
	_ =	strace $0x80000048  }
0xb8: {  	_ =	swait.ge [sflag:s29], $0x1  }
0xb9: {  	[sflag:s29] =	ssyncadd.s32 $0xFFFFFFFF  }
0xba: {  	_ =	strace $0x90000048  }
0xbb: {  	_ =	sfence  }
0xbc: {  	s30 =	sld [smem:$0x0];
	_ =	sdelay $0x2  }
0xbd: {  	s31 =	sshll.u32 s1, $0xD;
	s1 =	sshrl.u32 s1, $0x2  }
0xbe: {  	s3 =	sand.u32 $0x4000, s31;
	s1 =	sadd.s32 s1, s30  }
0xbf: {  	s0 =	sor.u32 s3, s0;
	s1 =	sshll.u32 s1, $0x11  }
0xc0: {  	s0 =	sor.u32 s1, s0  }
0xc1: {  	s0 =	sadd.s32 $0x8F2B, s0  }
0xc2: {  	[sflag:s0] =	ssyncadd.remote.s32 $0x1  }
0xc3: {  	_ =	sfence.sel $0xFFFF  }
0xc4: {  	[dreg:$0x0] =	wrdreg $0xFFFFFFFF;
	(pc) =	sbr.abs _section_cstart, $3  }
0xc5: {  	[dreg:$0x1] =	wrdreg $0xFFFFFFFF  }
0xc6: {  	_ =	task.clear_ibuf [dreg:s9], $0x2FFFF;
	_ =	strace $0x9FFFFFFF  }
0xc7: {  	(tm) =	ssettm $0x7FFFFFFF  }
tec
execute0_lowered:
.L_overlay_start_1:
0x0: {  	(tag) =	ssettag $0x1  }
0x1: {  	s1 =	rddreg [dreg:$0x0]  }
0x2: {  	s2 =	rddreg [dreg:$0x1]  }
0x3: {  	s3 =	rddreg [dreg:$0x2]  }
0x4: {  	s0 =	rddreg [dreg:$0x3]  }
0x5: {  	s5 =	rddreg [dreg:$0x4];
	s6 =	simm.s32 $0x0  }
0x6: {  	s17 =	stileid.u32;
	s7 =	srdreg.scid;
	s29 =	simm.s32 $0x11000  }
0x7: {  	s30 =	simm.s32 $0x8;
	s31 =	simm.s32 $0x400;
	s4 =	smul.u32 $0xA000, s17  }
0x8: {  	[smem:$0x7FF] =	sst s6;
	s8 =	sand.u32 $0x1, s7;
	s21 =	smul.u32 $0x28000, s17  }
0x9: {  	s13 =	sshll.u32 s17, $0x1;
	s14 =	sshrl.u32 s17, $0x3;
	s10 =	smul.u32 $0xA0000, s8  }
0xa: {  	s18 =	sshll.u32 s17, $0x7;
	_ =	strace $0x80000047;
	s11 =	smul.u32 $0x14000, s8  }
0xb: {  	s16 =	sor.u32 s8, s13;
	s15 =	smul.u32 $0xA000, s14;
	s19 =	sand.u32 $0x380, s18  }
0xc: {  	s8 =	ssub.s32 $0x2, s8;
	s9 =	sshrl.u32 s4, $0x3;
	s12 =	ssub.s32 $0x9E3, s16  }
0xd: {  	s23 =	sshrl.u32 s8, $0x1;
	s4 =	sadd.s32 s4, s10;
	s7 =	sshrl.u32 s12, $0x5  }
0xe: {  	v0 =	vlaneseq.u32;
	s10 =	sadd.s32 s11, s15;
	s9 =	sadd.s32 s9, s0;
	s13 =	sadd.s32 $0xFFFFFFFF, s7  }
0xf: {  	v2 =	vmul.u32 $0x20, v0;
	s11 =	sshrl.u32 s21, $0x2;
	s14 =	ssub.s32 s8, s23;
	s20 =	smul.u32 $0xAB, s13  }
0x10: {  	s4 =	sshrl.u32 s4, $0x3;
	s10 =	sor.u32 s19, s10;
	s24 =	sshll.u32 s13, $0x5  }
0x11: {  	v0 =	vor.u32 $0x200, v2;
	v1 =	vor.u32 s16, v2;
	s15 =	sadd.s32 s11, s5;
	s26 =	sor.u32 s16, s24;
	s12 =	sshrl.u32 s20, $0x9  }
0x12: {  	v4 =	vor.u32 $0x600, v2;
	v3 =	vor.u32 s16, v0;
	s8 =	sadd.s32 $0x3000, s9;
	s10 =	sshrl.u32 s10, $0x3;
	v0 =	vmin.u32 v1, s26;
	s22 =	sand.u32 $0x7F, s12  }
0x13: {  	s4 =	sadd.s32 s4, s0;
	s0 =	sadd.s32 s10, s0;
	v1 =	vmin.u32 v3, s26;
	v3 =	vor.u32 $0x400, v2;
	v2 =	vor.u32 $0x800, v2;
	s10 =	smul.u32 $0x3, s22  }
0x14: {  	v4 =	vor.u32 s16, v4;
	s9 =	sshll.u32 s17, $0x6;
	s14 =	smax.u32 s14, $0x1;
	s15 =	sshrl.u32 s15, $0x3;
	v3 =	vor.u32 s16, v3;
	v5 =	vor.u32 s16, v2  }
0x15: {  	s12 =	sadd.s32 $0x17000, s4;
	v2 =	vmin.u32 v3, s26;
	v3 =	vmin.u32 v4, s26;
	v4 =	vmin.u32 v5, s26;
	s26 =	simm.s32 $0x80;
	s25 =	ssub.s32 s13, s10  }
0x16: {  	s10 =	sor.u32 $0x1C01, s9;
	s13 =	sadd.s32 $0x3F000, s0;
	s28 =	sand.u32 $0xFF, s25  }
0x17: {  	vm0 =	vmmov $0xffff;
	v6 =	vimm.f32 $1.000000000e+00;
	v5 =	vimm.f32 $0.0e+00;
	s0 =	simm.s32 $0x0;
	s25 =	simm.s32 $0x1;
	s11 =	sadd.s32 $0x5, s28  }
.LBB2_1:
0x18: {  	_ =	sdelay $0x2  }
0x19: {  	[spmem:s15], [sflag:s10] =	dma.local [hbm:s8], $0x1400  }
0x1a: {  	[tilespmem:s6], [sflag:$0x1] =	stream.indirect_vreg.gather [hbm4b:s2+s6], $0x80, v0, vm0, $0xb8;
	[tilespmem:$0x1C400] =	vst v63  }
0x1b: {  	s4 =	simm.s32 $0x2800  }
0x1c: {  	[tilespmem:s4], [sflag:$0x1] =	stream.indirect_vreg.gather [hbm4b:s3+s6], $0x80, v0, vm0, $0xb8;
	[tilespmem:$0x1C400] =	vst v63  }
0x1d: {  	s18 =	simm.s32 $0x800  }
0x1e: {  	[tilespmem:s18], [sflag:$0x1] =	stream.indirect_vreg.gather [hbm4b:s2+s6], $0x80, v1, vm0, $0xb8;
	[tilespmem:$0x1C400] =	vst v63  }
0x1f: {  	s19 =	simm.s32 $0x3000  }
0x20: {  	[tilespmem:s19], [sflag:$0x1] =	stream.indirect_vreg.gather [hbm4b:s3+s6], $0x80, v1, vm0, $0xb8;
	[tilespmem:$0x1C400] =	vst v63  }
0x21: {  	s20 =	simm.s32 $0x1000  }
0x22: {  	[tilespmem:s20], [sflag:$0x1] =	stream.indirect_vreg.gather [hbm4b:s2+s6], $0x80, v2, vm0, $0xb8;
	[tilespmem:$0x1C400] =	vst v63  }
0x23: {  	s21 =	simm.s32 $0x3800  }
0x24: {  	[tilespmem:s21], [sflag:$0x1] =	stream.indirect_vreg.gather [hbm4b:s3+s6], $0x80, v2, vm0, $0xb8;
	[tilespmem:$0x1C400] =	vst v63  }
0x25: {  	s22 =	simm.s32 $0x1800  }
0x26: {  	[tilespmem:s22], [sflag:$0x1] =	stream.indirect_vreg.gather [hbm4b:s2+s6], $0x80, v3, vm0, $0xb8;
	[tilespmem:$0x1C400] =	vst v63  }
0x27: {  	s23 =	simm.s32 $0x4000  }
0x28: {  	[tilespmem:s23], [sflag:$0x1] =	stream.indirect_vreg.gather [hbm4b:s3+s6], $0x80, v3, vm0, $0xb8;
	[tilespmem:$0x1C400] =	vst v63  }
0x29: {  	s24 =	simm.s32 $0x2000  }
0x2a: {  	[tilespmem:s24], [sflag:$0x1] =	stream.indirect_vreg.gather [hbm4b:s2+s6], $0x80, v4, vm0, $0xb8;
	[tilespmem:$0x1C400] =	vst v63  }
0x2b: {  	s28 =	simm.s32 $0x4800;
	s16 =	simm.s32 $0x0;
	s4 =	simm.s32 $0x40  }
0x2c: {  	[tilespmem:s28], [sflag:$0x1] =	stream.indirect_vreg.gather [hbm4b:s3+s6], $0x80, v4, vm0, $0xb8;
	[tilespmem:$0x1C400] =	vst v63  }
.LBB2_2:
0x2d: {  	p0 =	sne.s32 s4, $0x4FC0;
	[tilespmem:s16+$0x11000] =	vst v5;
	s16 =	smov.u32 s4;
	s4 =	sadd.s32 $0x40, s4  }
.Ltmp0:
0x2e: {  	(pc) =	sbr.rel @p0 .LBB2_2-.Ltmp0, $2  }
0x2f: {  	_ =	sdelay $0x2  }
0x30: {  	s16 =	sshra.s32 s16, $0x2  }
0x31: {  	[tilespmem:s16+$0x11000] =	vst v5  }
0x32: {  	_ =	swait.ge [sflag:s25], $0x800  }
0x33: {  	[sflag:s25] =	ssyncset.done $0x0  }
0x34: {  	[sflag:s25] =	ssyncadd.s32 $0xFFFFF800  }
0x35: {  	_ =	swait.ge [sflag:s25], $0x800  }
0x36: {  	[sflag:s25] =	ssyncset.done $0x0  }
0x37: {  	[sflag:s25] =	ssyncadd.s32 $0xFFFFF800  }
0x38: {  	_ =	swait.ge [sflag:s25], $0x800  }
0x39: {  	[sflag:s25] =	ssyncset.done $0x0  }
0x3a: {  	[sflag:s25] =	ssyncadd.s32 $0xFFFFF800  }
0x3b: {  	_ =	swait.ge [sflag:s25], $0x800  }
0x3c: {  	[sflag:s25] =	ssyncset.done $0x0  }
0x3d: {  	[sflag:s25] =	ssyncadd.s32 $0xFFFFF800  }
0x3e: {  	_ =	swait.ge [sflag:s25], $0x800  }
0x3f: {  	[sflag:s25] =	ssyncset.done $0x0  }
0x40: {  	[sflag:s25] =	ssyncadd.s32 $0xFFFFF800  }
0x41: {  	_ =	swait.ge [sflag:s25], $0x800  }
0x42: {  	[sflag:s25] =	ssyncset.done $0x0  }
0x43: {  	[sflag:s25] =	ssyncadd.s32 $0xFFFFF800  }
0x44: {  	_ =	swait.ge [sflag:s25], $0x800  }
0x45: {  	[sflag:s25] =	ssyncset.done $0x0  }
0x46: {  	[sflag:s25] =	ssyncadd.s32 $0xFFFFF800  }
0x47: {  	_ =	swait.ge [sflag:s25], $0x800  }
0x48: {  	[sflag:s25] =	ssyncset.done $0x0  }
0x49: {  	[sflag:s25] =	ssyncadd.s32 $0xFFFFF800  }
0x4a: {  	_ =	swait.ge [sflag:s25], $0x800  }
0x4b: {  	[sflag:s25] =	ssyncset.done $0x0  }
0x4c: {  	[sflag:s25] =	ssyncadd.s32 $0xFFFFF800  }
0x4d: {  	_ =	swait.ge [sflag:s25], $0x800  }
0x4e: {  	[sflag:s25] =	ssyncset.done $0x0  }
0x4f: {  	[sflag:s25] =	ssyncadd.s32 $0xFFFFF800  }
0x50: {  	_ =	swait.ge [sflag:s25], $0x1400  }
0x51: {  	[sflag:s25] =	ssyncset.done $0x0  }
0x52: {  	[sflag:s25] =	ssyncadd.s32 $0xFFFFEC00  }
0x53: {  	s4 =	simm.s32 $0x0;
	s16 =	simm.s32 $0x5000;
	[bflag:$0x0] =	sbarrier.arrive $0xFFFF  }
0x54: {  	[tilespmem:s16], [sflag:$0x2] =	stream.indirect.gather [hbm4b:s1+s26], $0x80, s4, s26, $0xb8;
	[tilespmem:$0x1C400] =	vst v63  }
0x55: {  	s17 =	simm.s32 $0x9000;
	s18 =	simm.s32 $0x2;
	s19 =	simm.s32 $0xD000  }
0x56: {  	[tilespmem:s17], [sflag:$0x3] =	stream.indirect.gather [hbm4b:s1+s26], $0x80, s26, s26, $0xb8;
	[tilespmem:$0x1C400] =	vst v63  }
0x57: {  	s20 =	simm.s32 $0x2800;
	s21 =	simm.s32 $0x0;
	s17 =	simm.s32 $0xFFFFFFFF  }
.LBB2_4:
0x58: {  	s22 =	smulhi.u32 $0xAAAAAAAB, s17;
	_ =	sdelay $0x1  }
0x59: {  	s22 =	sshrl.u32 s22, $0x1  }
0x5a: {  	s22 =	smul.u32 $0xFFFFFFF4, s22  }
0x5b: {  	s23 =	smulhi.u32 $0xAAAAAAAB, s18  }
0x5c: {  	p0 =	seq.s32 s4, $0x0;
	s22 =	sshra.s32 s22, $0x2  }
0x5d: {  	s24 =	sshra.s32 @!p0 s4, $0x2;
	s23 =	sshrl.u32 s23, $0x1;
	s22 =	sadd.s32 $0x4, s22  }
0x5e: {  	s28 =	smul.u32 $0xFFFFFFF4, s23;
	s22 =	sadd.s32 @!p0 s24, s22  }
0x5f: {  	s23 =	smul.u32 $0xFFFD0000, s23;
	_ =	swait.ge @!p0 [sflag:s22], $0x4000  }
0x60: {  	s24 =	sshra.s32 s28, $0x2;
	s28 =	sadd.s32 $0x2, s21;
	[sflag:s22] =	ssyncset.done @!p0 $0x0  }
0x61: {  	s23 =	sshra.s32 s23, $0x2;
	[sflag:s22] =	ssyncadd.s32 @!p0 $0xFFFFC000;
	p0 =	sge.u32 s28, s7  }
0x62: {  	s23 =	sadd.s32 s23, s19;
	s22 =	sadd.s32 $0x4, s24;
	s24 =	sshra.s32 @!p0 s4, $0x2  }
0x63: {  	s28 =	sadd.s32 @!p0 $0xFFFFD900, s20;
	s22 =	sadd.s32 @!p0 s24, s22;
	s24 =	simm.s32 @!p0 $0x80  }
0x64: {  	[tilespmem:s23], [sflag:s22] =	stream.indirect.gather @!p0 [hbm4b:s1+s24], $0x80, s28, s24, $0xb8;
	[tilespmem:$0x1C400] =	vst v63  }
0x65: {  	v7 =	vld [tilespmem:s20+$0x0];
	_ =	sdelay $0x7  }
0x66: {  	[tilespmem:v7+s29+$0x0] =	vst.idx.add.f32.msk $0xffff, v6  }
0x67: {  	v7 =	vld [tilespmem:s20+$0x10];
	_ =	sdelay $0x7  }
0x68: {  	[tilespmem:v7+s29+$0x0] =	vst.idx.add.f32.msk $0xffff, v6  }
0x69: {  	v7 =	vld [tilespmem:s20+$0x20];
	_ =	sdelay $0x7  }
0x6a: {  	[tilespmem:v7+s29+$0x0] =	vst.idx.add.f32.msk $0xffff, v6  }
0x6b: {  	v7 =	vld [tilespmem:s20+$0x30];
	_ =	sdelay $0x7  }
0x6c: {  	[tilespmem:v7+s29+$0x0] =	vst.idx.add.f32.msk $0xffff, v6  }
0x6d: {  	v7 =	vld [tilespmem:s20+$0x40];
	_ =	sdelay $0x7  }
0x6e: {  	[tilespmem:v7+s29+$0x0] =	vst.idx.add.f32.msk $0xffff, v6  }
0x6f: {  	v7 =	vld [tilespmem:s20+$0x50];
	_ =	sdelay $0x7  }
0x70: {  	[tilespmem:v7+s29+$0x0] =	vst.idx.add.f32.msk $0xffff, v6  }
0x71: {  	v7 =	vld [tilespmem:s20+$0x60];
	_ =	sdelay $0x7  }
0x72: {  	[tilespmem:v7+s29+$0x0] =	vst.idx.add.f32.msk $0xffff, v6  }
0x73: {  	v7 =	vld [tilespmem:s20+$0x70]  }
0x74: {  	s24 =	smulhi.u32 $0xAAAAAAAB, s21;
	_ =	sdelay $0x1  }
0x75: {  	s22 =	sshrl.u32 s24, $0x1  }
0x76: {  	s28 =	smul.u32 $0xFFFFFFF4, s22;
	_ =	sdelay $0x1  }
0x77: {  	s17 =	sadd.s32 $0x1, s17;
	s18 =	sadd.s32 $0x1, s18;
	s23 =	sshra.s32 s28, $0x2  }
0x78: {  	s21 =	sadd.s32 $0x1, s21;
	s28 =	sshra.s32 s4, $0x2;
	s24 =	sadd.s32 $0x2, s23  }
0x79: {  	p0 =	sne.s32 s21, s7;
	s22 =	smul.u32 $0xFFFD0000, s22;
	s24 =	sadd.s32 s28, s24;
	[tilespmem:v7+s29+$0x0] =	vst.idx.add.f32.msk $0xffff, v6  }
.Ltmp1:
0x7a: {  	s19 =	sadd.s32 $0x4000, s19;
	_ =	swait.ge [sflag:s24], $0x4000;
	(pc) =	sbr.rel @p0 .LBB2_4-.Ltmp1, $4  }
0x7b: {  	s22 =	sshra.s32 s22, $0x2;
	s23 =	sadd.s32 $0x5, s23;
	[sflag:s24] =	ssyncset.done $0x0  }
0x7c: {  	s22 =	sadd.s32 s22, s16;
	s23 =	sadd.s32 s28, s23;
	[sflag:s24] =	ssyncadd.s32 $0xFFFFC000  }
0x7d: {  	[spmem:s5] =	stream.indirect.scatter.add.f32 [tilespmem:s22], [sflag:s23], $0x80, s20, s26, $0xb8;
	[tilespmem:$0x1C400] =	vst v63  }
0x7e: {  	s4 =	sadd.s32 $0x4, s4;
	s16 =	sadd.s32 $0x4000, s16;
	s20 =	sadd.s32 $0x80, s20  }
0x7f: {  	_ =	swait.ge [sflag:s11], $0x4000  }
0x80: {  	[sflag:s11] =	ssyncset.done $0x0  }
0x81: {  	[sflag:s11] =	ssyncadd.s32 $0xFFFFC000  }
0x82: {  	s4 =	sor.u32 $0x1C08, s9;
	[bflag:$0x0] =	sbarrier.arrive $0xFFFF  }
0x83: {  	[hbm:s12], [sflag:s4] =	dma.local [spmem:s15], $0x1400  }
0x84: {  	s0 =	sadd.s32 $0x1, s0;
	_ =	swait.ge [sflag:s30], $0x1400  }
0x85: {  	p0 =	sne.s32 s0, s14;
	[sflag:s30] =	ssyncset.done $0x0  }
.Ltmp2:
0x86: {  	[sflag:s30] =	ssyncadd.s32 $0xFFFFEC00;
	(pc) =	sbr.rel @p0 .LBB2_1-.Ltmp2, $4  }
0x87: {  	[hbm4b:s13+s26] =	stream.strided.scatter [tilespmem:s29], [sflag:$0x8], $0x1400, s31, s26, $0x38;
	[tilespmem:$0x1C400] =	vst v63  }
0x88: {  	_ =	swait.ge [sflag:s30], $0x1400  }
0x89: {  	[sflag:s30] =	ssyncset.done $0x0  }
0x8a: {  	[sflag:s30] =	ssyncadd.s32 $0xFFFFEC00  }
0x8b: {  	_ =	sfence.sel $0x180000  }
0x8c: {  	[bflag:$0x0] =	sbarrier.arrive $0xFFFF  }
0x8d: {  	_ =	strace $0x90000047  }
0x8e: {  	s0 =	stileid.u32;
	[bflag:$0x2] =	sbarrier.arrive $0xFFFF  }
0x8f: {  	p0 =	sne.s32 s0, $0x0;
	s0 =	rddreg [dreg:$0x5]  }
0x90: {  	s0 =	sadd.s32 @!p0 $0x100000, s0  }
0x91: {  	[sflag:s0] =	ssyncadd.tile.s32 @!p0 $0x1;
	_ =	shalt  }
.Lfunc_end2:
_tile_overlayer_lowered:
.L_overlay_start_2:
0x92: {  	(tag) =	ssettag $0x2  }
0x93: {  	s0 =	rddreg [dreg:$0x0];
	s2 =	stileid.u32  }
0x94: {  	s1 =	rddreg [dreg:$0x1];
	p0 =	sne.s32 s2, $0x0  }
0x95: {  	s3 =	rddreg [dreg:$0x2];
	[bflag:$0x3] =	sbarrier.arrive $0xFFFF;
	s2 =	simm.s32 @!p0 $0x1C08  }
0x96: {  	[timem:s3], [sflag:s2] =	dma.local @!p0 [hbm:s0], s1  }
0x97: {  	s0 =	simm.s32 @!p0 $0x8  }
0x98: {  	_ =	swait.ge @!p0 [sflag:s0], s1  }
0x99: {  	s1 =	ssub.s32 @!p0 $0x0, s1;
	[sflag:s0] =	ssyncset.done @!p0 $0x0  }
0x9a: {  	[sflag:s0] =	ssyncadd.s32 @!p0 s1  }
0x9b: {  	[bflag:$0x3] =	sbarrier.arrive $0xFFFF  }
0x9c: {  	_ =	shalt  }

// kernel: kernel.9.cloned.1.call-start
scs
__scs_entry_jumppad:
0x0: {  	(pc) =	sbr.rel $0x88, $3  }
0x1: {  	(tag) =	ssettag $0x0;
	lr =	simm.s32 $0x1  }
0x2: {  	[smem:$0x3F96] =	sst lr;
	_ =	strace $0xD0000000  }
0x3: {  	_ = 	snop  }
0x4: {  	_ = 	snop  }
0x5: {  	_ = 	snop  }
0x6: {  	_ = 	snop  }
0x7: {  	_ = 	snop  }
__scs_overlays_trampoline_lowered:
0x8: {  	[smem:$0x3FA5] =	sst s0  }
0x9: {  	[smem:$0x3FA6] =	sst s1  }
0xa: {  	[smem:$0x3FA7] =	sst s2  }
0xb: {  	[smem:$0x3FA8] =	sst s3  }
0xc: {  	[smem:$0x3FA9] =	sst s4  }
0xd: {  	[smem:$0x3FAA] =	sst s5  }
0xe: {  	[smem:$0x3FAB] =	sst s6  }
0xf: {  	[smem:$0x3FAC] =	sst s7  }
0x10: {  	[smem:$0x3FAD] =	sst s8  }
0x11: {  	[smem:$0x3FAE] =	sst s9;
	s0 =	simm.s32 @!p0 $0x0  }
0x12: {  	s1 =	sld [smem:$0x3F94];
	s0 =	simm.s32 @p0 $0x1  }
0x13: {  	[smem:$0x3FAF] =	sst s0;
	s0 =	simm.s32 @!p1 $0x0  }
0x14: {  	s2 =	sld [smem:$0x3F93];
	s0 =	simm.s32 @p1 $0x1  }
0x15: {  	[smem:$0x3FB0] =	sst s0;
	s0 =	simm.s32 @!p2 $0x0  }
0x16: {  	s3 =	sld [smem:$0x3FDB];
	s0 =	simm.s32 @p2 $0x1  }
0x17: {  	s4 =	simm.s32 $0x1BF5;
	[smem:$0x3FB2] =	sst s0  }
0x18: {  	s0 =	sld [smem:$0x3F95];
	_ =	swait.ge [sflag:s4], $0x0  }
0x19: {  	s7 =	sld [smem:$0x3F96]  }
0x1a: {  	s8 =	sadd.s32 $0xFFFFE003, lr  }
0x1b: {  	s9 =	sadd.s32 $0xFFFFFEF7, lr;
	s5 =	simm.s32 $0xFFFFFFFF;
	p2 =	slt.u32 s8, $0xFFFFF086  }
0x1c: {  	p1 =	slt.u32 s9, $0xF7A;
	s5 =	simm.s32 @!p2 $0x0  }
0x1d: {  	s5 =	simm.s32 @p1 $0x1;
	p0 =	seq.s32 s7, s2  }
0x1e: {  	s7 =	smul.u32 @!p0 $0xF7A, s2;
	p2 =	seq.s32 @!p0 s5, $0x0  }
0x1f: {  	s9 =	smul.u32 $0xF7A, s1;
	s8 =	simm.s32 @!p0 $0x1BF5;
	p2 =	por !p2, p0  }
0x20: {  	[sflag:s8] =	ssyncset.s32 @!p0 $0xFFFFF086;
	s6 =	sadd.s32 @!p0 s3, s7;
	s7 =	simm.s32 @!p0 $0x108  }
0x21: {  	s3 =	sadd.s32 s3, s9;
	s6 =	sadd.s32 @!p0 $0x88, s6;
	s7 =	simm.s32 @p2 $0x1082  }
0x22: {  	[simem:s7], [sflag:s8] =	dma.local @!p0 [hbm:s6], $0xF7A  }
0x23: {  	s9 =	sor.u32 $0xD0000000, s2;
	s6 =	simm.s32 $0x108;
	_ =	swait.ge @!p0 [sflag:s8], $0x0  }
0x24: {  	s3 =	sadd.s32 $0x88, s3;
	s6 =	simm.s32 @!p1 $0x1082;
	[sflag:s4] =	ssyncset.s32 $0xFFFFF086  }
0x25: {  	[simem:s6], [sflag:s4] =	dma.local [hbm:s3], $0xF7A  }
0x26: {  	[smem:$0x3F96] =	sst s1;
	(tag) =	ssettag s2;
	_ =	strace s9  }
0x27: {  	s1 =	sld [smem:$0x3FA6]  }
0x28: {  	s2 =	sld [smem:$0x3FA7]  }
0x29: {  	s4 =	sld [smem:$0x3FA9]  }
0x2a: {  	p0 =	seq.s32 s5, $0x0;
	s5 =	sld [smem:$0x3FAA]  }
0x2b: {  	s6 =	sld [smem:$0x3FAB]  }
0x2c: {  	s7 =	sld [smem:$0x3FAC]  }
0x2d: {  	s3 =	simm.s32 $0x108;
	s8 =	sld [smem:$0x3FAD]  }
0x2e: {  	s3 =	simm.s32 @!p0 $0x1082;
	s9 =	sld [smem:$0x3FAE]  }
0x2f: {  	lr =	sadd.s32 s0, s3;
	s0 =	sld [smem:$0x3FA5]  }
0x30: {  	s3 =	sld [smem:$0x3FA8]  }
0x31: {  	[smem:$0x3FB1] =	sst s10  }
0x32: {  	s10 =	sld [smem:$0x3FAF];
	_ =	sdelay $0x3  }
0x33: {  	p0 =	seq.s32 s10, $0x1;
	s10 =	sld [smem:$0x3FB1];
	_ =	sdelay $0x3  }
0x34: {  	[smem:$0x3FB1] =	sst s10  }
0x35: {  	s10 =	sld [smem:$0x3FB0];
	_ =	sdelay $0x3  }
0x36: {  	p1 =	seq.s32 s10, $0x1;
	s10 =	sld [smem:$0x3FB1];
	_ =	sdelay $0x3  }
0x37: {  	[smem:$0x3FB1] =	sst s10  }
0x38: {  	s10 =	sld [smem:$0x3FB2]  }
0x39: {  	_ = 	snop;
	(pc) =	sbr.ind lr, $3  }
0x3a: {  	_ = 	snop  }
0x3b: {  	_ = 	snop  }
0x3c: {  	p2 =	seq.s32 s10, $0x1;
	s10 =	sld [smem:$0x3FB1]  }
0x3d: {  	_ =	shalt  }
0x3e: {  	_ =	shalt  }
0x3f: {  	_ =	shalt  }
0x40: {  	_ =	shalt  }
0x41: {  	_ =	shalt  }
0x42: {  	_ =	shalt  }
0x43: {  	_ =	shalt  }
0x44: {  	_ =	shalt  }
0x45: {  	_ =	shalt  }
0x46: {  	_ =	shalt  }
0x47: {  	_ =	shalt  }
0x48: {  	_ =	shalt  }
0x49: {  	_ =	shalt  }
0x4a: {  	_ =	shalt  }
0x4b: {  	_ =	shalt  }
0x4c: {  	_ =	shalt  }
0x4d: {  	_ =	shalt  }
0x4e: {  	_ =	shalt  }
0x4f: {  	_ =	shalt  }
0x50: {  	_ =	shalt  }
0x51: {  	_ =	shalt  }
0x52: {  	_ =	shalt  }
0x53: {  	_ =	shalt  }
0x54: {  	_ =	shalt  }
0x55: {  	_ =	shalt  }
0x56: {  	_ =	shalt  }
0x57: {  	_ =	shalt  }
0x58: {  	_ =	shalt  }
0x59: {  	_ =	shalt  }
0x5a: {  	_ =	shalt  }
0x5b: {  	_ =	shalt  }
0x5c: {  	_ =	shalt  }
0x5d: {  	_ =	shalt  }
0x5e: {  	_ =	shalt  }
0x5f: {  	_ =	shalt  }
0x60: {  	_ =	shalt  }
0x61: {  	_ =	shalt  }
0x62: {  	_ =	shalt  }
0x63: {  	_ =	shalt  }
0x64: {  	_ =	shalt  }
0x65: {  	_ =	shalt  }
0x66: {  	_ =	shalt  }
0x67: {  	_ =	shalt  }
0x68: {  	_ =	shalt  }
0x69: {  	_ =	shalt  }
0x6a: {  	_ =	shalt  }
0x6b: {  	_ =	shalt  }
0x6c: {  	_ =	shalt  }
0x6d: {  	_ =	shalt  }
0x6e: {  	_ =	shalt  }
0x6f: {  	_ =	shalt  }
0x70: {  	_ =	shalt  }
0x71: {  	_ =	shalt  }
0x72: {  	_ =	shalt  }
0x73: {  	_ =	shalt  }
0x74: {  	_ =	shalt  }
0x75: {  	_ =	shalt  }
0x76: {  	_ =	shalt  }
0x77: {  	_ =	shalt  }
0x78: {  	_ =	shalt  }
0x79: {  	_ =	shalt  }
0x7a: {  	_ =	shalt  }
0x7b: {  	_ =	shalt  }
0x7c: {  	_ =	shalt  }
0x7d: {  	_ =	shalt  }
0x7e: {  	_ =	shalt  }
0x7f: {  	_ =	shalt  }
0x80: {  	_ =	shalt  }
0x81: {  	_ =	shalt  }
0x82: {  	_ =	shalt  }
0x83: {  	_ =	shalt  }
0x84: {  	_ =	shalt  }
0x85: {  	_ =	shalt  }
0x86: {  	_ =	shalt  }
0x87: {  	_ =	shalt  }
.Lfunc_end0:
.L_simem_size_0:
called_computation.1_lowered:
.L_overlay_start_0:
0x88: {  	s2 =	sld [smem:$0x3FD9]  }
0x89: {  	s3 =	sld [smem:$0x3FFE];
	_ =	sdelay $0x1  }
0x8a: {  	s1 =	srdreg.scid  }
0x8b: {  	s0 =	sand.u32 $0x1, s1  }
0x8c: {  	s17 =	sshll.u32 s0, $0xA;
	s2 =	sadd.s32 s3, s2  }
0x8d: {  	s2 =	sadd.s32 s2, s17  }
0x8e: {  	[smem:$0x3FBD] =	sst s2  }
0x8f: {  	_ = 	snop  }
0x90: {  	s2 =	sld [smem:$0x3FC6]  }
0x91: {  	s18 =	sld [smem:$0x3FC5]  }
0x92: {  	s4 =	sld [smem:$0x3FD0];
	(tm) =	ssettm $0x1  }
0x93: {  	s5 =	sld [smem:$0x3FFB];
	_ =	sdelay $0x3  }
0x94: {  	_ =	strace s5  }
0x95: {  	s5 =	sld [smem:$0x3FFC];
	_ =	sdelay $0x3  }
0x96: {  	_ =	strace s5  }
0x97: {  	s5 =	sld [smem:$0x3FFD];
	_ =	sdelay $0x3  }
0x98: {  	_ =	strace s5  }
0x99: {  	_ =	strace $0x8FFFFFFF  }
0x9a: {  	s19 =	sld [smem:$0x3FDB];
	_ =	sdelay $0x1  }
0x9b: {  	s6 =	simm.s32 $_scs_section_size  }
0x9c: {  	s7 =	simm.s32 $_size__tile_overlayer_lowered;
	s8 =	simm.s32 $_tile_overlayer_lowered  }
0x9d: {  	s22 =	simm.s32 $0x1BFF;
	s21 =	sshll.u32 s8, $0x1;
	s5 =	sadd.s32 s6, s19  }
0x9e: {  	s9 =	simm.s32 $0x0;
	s20 =	sshll.u32 s7, $0x1;
	s7 =	sadd.s32 s21, s5  }
0x9f: {  	[timem:s9], [sflag:s22] =	dma.local [hbm:s7], s20  }
0xa0: {  	_ =	swait.ge [sflag:s22], s20  }
0xa1: {  	s6 =	ssub.s32 $0x0, s20;
	[sflag:s22] =	ssyncset.done $0x0  }
0xa2: {  	[sflag:s22] =	ssyncadd.s32 s6;
	_ =	sdelay $0x1  }
0xa3: {  	s23 =	simm.s32 $0x1B8B  }
0xa4: {  	_ =	swait.ge [sflag:s23], $0x1  }
0xa5: {  	[sflag:s23] =	ssyncset.done $0x0  }
0xa6: {  	s25 =	simm.s32 $0x1B8E;
	s24 =	sld [smem:$0x3FFE];
	[sflag:s23] =	ssyncadd.s32 $0xFFFFFFFF  }
0xa7: {  	s26 =	simm.s32 $execute0_lowered;
	[smem:$0x3FD2] =	sst s25  }
0xa8: {  	s7 =	sshll.u32 s26, $0x1;
	_ =	strace $0x80000049;
	[dreg:$0x1] =	wrdreg $0xFFFFFFFF  }
0xa9: {  	s28 =	simm.s32 $_size_execute0_lowered;
	s5 =	sadd.s32 s5, s7;
	[dreg:$0x0] =	wrdreg $0x0  }
0xaa: {  	s7 =	sshll.u32 s28, $0x1;
	[dreg:$0x2] =	wrdreg s5  }
0xab: {  	[dreg:$0x3] =	wrdreg s7  }
0xac: {  	[dreg:$0x4] =	wrdreg $0xC0  }
0xad: {  	_ =	task [dreg:s9], $0x5FFFF  }
0xae: {  	[dreg:$0x1] =	wrdreg $0xFFFFFFFF  }
0xaf: {  	[dreg:$0x0] =	wrdreg $0x60  }
0xb0: {  	[dreg:$0x2] =	wrdreg s24  }
0xb1: {  	[dreg:$0x3] =	wrdreg s2  }
0xb2: {  	[dreg:$0x4] =	wrdreg s18  }
0xb3: {  	[dreg:$0x5] =	wrdreg s4  }
0xb4: {  	[dreg:$0x6] =	wrdreg $0xE4000  }
0xb5: {  	[dreg:$0x7] =	wrdreg $0x9  }
0xb6: {  	_ =	task.clear_ibuf [dreg:s9], $0x8FFFF;
	_ =	strace $0x90000049  }
0xb7: {  	s29 =	simm.s32 $0x9;
	_ =	strace $0x8000004B  }
0xb8: {  	_ =	swait.ge [sflag:s29], $0x1  }
0xb9: {  	[sflag:s29] =	ssyncadd.s32 $0xFFFFFFFF  }
0xba: {  	_ =	strace $0x9000004B  }
0xbb: {  	_ =	sfence  }
0xbc: {  	s30 =	sld [smem:$0x0];
	_ =	sdelay $0x2  }
0xbd: {  	s31 =	sshll.u32 s1, $0xD;
	s1 =	sshrl.u32 s1, $0x2  }
0xbe: {  	s3 =	sand.u32 $0x4000, s31;
	s1 =	sadd.s32 s1, s30  }
0xbf: {  	s0 =	sor.u32 s3, s0;
	s1 =	sshll.u32 s1, $0x11  }
0xc0: {  	s0 =	sor.u32 s1, s0  }
0xc1: {  	s0 =	sadd.s32 $0x8F2B, s0  }
0xc2: {  	[sflag:s0] =	ssyncadd.remote.s32 $0x1  }
0xc3: {  	_ =	sfence.sel $0xFFFF  }
0xc4: {  	[dreg:$0x0] =	wrdreg $0xFFFFFFFF;
	(pc) =	sbr.abs _section_cstart, $3  }
0xc5: {  	[dreg:$0x1] =	wrdreg $0xFFFFFFFF  }
0xc6: {  	_ =	task.clear_ibuf [dreg:s9], $0x2FFFF;
	_ =	strace $0x9FFFFFFF  }
0xc7: {  	(tm) =	ssettm $0x7FFFFFFF  }
tec
execute0_lowered:
.L_overlay_start_1:
0x0: {  	(tag) =	ssettag $0x1  }
0x1: {  	s0 =	rddreg [dreg:$0x0]  }
0x2: {  	s1 =	rddreg [dreg:$0x1]  }
0x3: {  	s2 =	rddreg [dreg:$0x2]  }
0x4: {  	s3 =	rddreg [dreg:$0x3];
	s18 =	stileid.u32  }
0x5: {  	s5 =	srdreg.scid;
	s4 =	rddreg [dreg:$0x4];
	s19 =	simm.s32 $0x1  }
0x6: {  	s22 =	simm.s32 $0xE000;
	s23 =	simm.s32 $0x8;
	s24 =	simm.s32 $0x400  }
0x7: {  	s25 =	simm.s32 $0x0;
	s11 =	sand.u32 $0x1, s5;
	s6 =	sshll.u32 s18, $0x1  }
0x8: {  	s5 =	simm.s32 $0x0;
	s7 =	sadd.s32 $0x3000, s0;
	s17 =	sor.u32 s11, s6  }
0x9: {  	s13 =	sshll.u32 s18, $0xA;
	s30 =	sshll.u32 s18, $0xD;
	s6 =	ssub.s32 $0x290, s17  }
0xa: {  	[smem:$0x7FF] =	sst s5;
	s8 =	ssub.s32 $0x2, s11;
	s6 =	sshrl.u32 s6, $0x5  }
0xb: {  	s0 =	sadd.s32 s13, s0;
	s15 =	sadd.s32 s30, s4;
	s12 =	sadd.s32 $0xFFFFFFFF, s6  }
0xc: {  	s11 =	sshll.u32 s11, $0xE;
	s9 =	sshrl.u32 s8, $0x1;
	s10 =	smul.u32 $0xAB, s12  }
0xd: {  	_ =	strace $0x8000004A;
	s15 =	sshrl.u32 s15, $0x3;
	s14 =	ssub.s32 s8, s9  }
0xe: {  	v0 =	vlaneseq.u32;
	s9 =	sshll.u32 s18, $0x6;
	s18 =	sshll.u32 s18, $0x7;
	s10 =	sshrl.u32 s10, $0x9  }
0xf: {  	v0 =	vmul.u32 $0x20, v0;
	s8 =	sadd.s32 $0x16A00, s0;
	s13 =	sor.u32 s18, s13;
	s16 =	sand.u32 $0x7F, s10  }
0x10: {  	s0 =	sadd.s32 s11, s0;
	s13 =	sand.u32 $0x2380, s13;
	s16 =	smul.u32 $0x3, s16  }
0x11: {  	v1 =	vor.u32 $0x200, v0;
	s14 =	smax.u32 s14, $0x1;
	s31 =	sshll.u32 s12, $0x5;
	s13 =	sor.u32 s11, s13  }
0x12: {  	v0 =	vor.u32 s17, v0;
	v1 =	vor.u32 s17, v1;
	s20 =	sor.u32 s17, s31;
	s13 =	sshrl.u32 s13, $0x3;
	s12 =	ssub.s32 s12, s16  }
0x13: {  	v0 =	vmin.u32 v0, s20;
	v1 =	vmin.u32 v1, s20;
	s20 =	simm.s32 $0x80;
	s10 =	sor.u32 $0x1C01, s9;
	s12 =	sand.u32 $0xFF, s12  }
0x14: {  	vm0 =	vmmov $0xffff;
	v2 =	vimm.f32 $0.0e+00;
	v3 =	vimm.f32 $1.000000000e+00;
	s13 =	sadd.s32 s3, s13;
	s11 =	sadd.s32 $0x5, s12;
	s12 =	sadd.s32 $0x1AA00, s0  }
.LBB2_1:
0x15: {  	_ =	sdelay $0x2  }
0x16: {  	[spmem:s15], [sflag:s10] =	dma.local [hbm:s8], $0x400  }
0x17: {  	[tilespmem:s5], [sflag:$0x1] =	stream.indirect_vreg.gather [hbm4b:s1+s5], $0x80, v0, vm0, $0xb8;
	[tilespmem:$0x10400] =	vst v63  }
0x18: {  	s0 =	simm.s32 $0x1000  }
0x19: {  	[tilespmem:s0], [sflag:$0x1] =	stream.indirect_vreg.gather [hbm4b:s2+s5], $0x80, v0, vm0, $0xb8;
	[tilespmem:$0x10400] =	vst v63  }
0x1a: {  	s30 =	simm.s32 $0x800  }
0x1b: {  	[tilespmem:s30], [sflag:$0x1] =	stream.indirect_vreg.gather [hbm4b:s1+s5], $0x80, v1, vm0, $0xb8;
	[tilespmem:$0x10400] =	vst v63  }
0x1c: {  	s31 =	simm.s32 $0x1800;
	s3 =	simm.s32 $0x0;
	s0 =	simm.s32 $0x40  }
0x1d: {  	[tilespmem:s31], [sflag:$0x1] =	stream.indirect_vreg.gather [hbm4b:s2+s5], $0x80, v1, vm0, $0xb8;
	[tilespmem:$0x10400] =	vst v63  }
.LBB2_2:
0x1e: {  	p0 =	sne.s32 s0, $0xFC0;
	[tilespmem:s3+$0xE000] =	vst v2;
	s3 =	smov.u32 s0;
	s0 =	sadd.s32 $0x40, s0  }
.Ltmp0:
0x1f: {  	(pc) =	sbr.rel @p0 .LBB2_2-.Ltmp0, $2  }
0x20: {  	_ =	sdelay $0x2  }
0x21: {  	s3 =	sshra.s32 s3, $0x2  }
0x22: {  	[tilespmem:s3+$0xE000] =	vst v2  }
0x23: {  	_ =	swait.ge [sflag:s19], $0x800  }
0x24: {  	[sflag:s19] =	ssyncset.done $0x0  }
0x25: {  	[sflag:s19] =	ssyncadd.s32 $0xFFFFF800  }
0x26: {  	_ =	swait.ge [sflag:s19], $0x800  }
0x27: {  	[sflag:s19] =	ssyncset.done $0x0  }
0x28: {  	[sflag:s19] =	ssyncadd.s32 $0xFFFFF800  }
0x29: {  	_ =	swait.ge [sflag:s19], $0x800  }
0x2a: {  	[sflag:s19] =	ssyncset.done $0x0  }
0x2b: {  	[sflag:s19] =	ssyncadd.s32 $0xFFFFF800  }
0x2c: {  	_ =	swait.ge [sflag:s19], $0x800  }
0x2d: {  	[sflag:s19] =	ssyncset.done $0x0  }
0x2e: {  	[sflag:s19] =	ssyncadd.s32 $0xFFFFF800  }
0x2f: {  	_ =	swait.ge [sflag:s19], $0x400  }
0x30: {  	[sflag:s19] =	ssyncset.done $0x0  }
0x31: {  	[sflag:s19] =	ssyncadd.s32 $0xFFFFFC00  }
0x32: {  	s26 =	simm.s32 $0x0;
	s28 =	simm.s32 $0x2000;
	[bflag:$0x0] =	sbarrier.arrive $0xFFFF  }
0x33: {  	[tilespmem:s28], [sflag:$0x2] =	stream.indirect.gather [hbm4b:s7+s20], $0x80, s26, s20, $0xb8;
	[tilespmem:$0x10400] =	vst v63  }
0x34: {  	s0 =	simm.s32 $0x6000;
	s29 =	simm.s32 $0xFFFFFFFF;
	s30 =	simm.s32 $0x2  }
0x35: {  	[tilespmem:s0], [sflag:$0x3] =	stream.indirect.gather [hbm4b:s7+s20], $0x80, s20, s20, $0xb8;
	[tilespmem:$0x10400] =	vst v63  }
0x36: {  	s31 =	simm.s32 $0xA000;
	s3 =	simm.s32 $0x1000;
	s0 =	simm.s32 $0x0  }
.LBB2_4:
0x37: {  	s16 =	smulhi.u32 $0xAAAAAAAB, s29;
	_ =	sdelay $0x1  }
0x38: {  	s16 =	sshrl.u32 s16, $0x1  }
0x39: {  	s16 =	smul.u32 $0xFFFFFFF4, s16  }
0x3a: {  	s17 =	smulhi.u32 $0xAAAAAAAB, s30  }
0x3b: {  	p0 =	seq.s32 s26, $0x0;
	s16 =	sshra.s32 s16, $0x2  }
0x3c: {  	s18 =	sshra.s32 @!p0 s26, $0x2;
	s17 =	sshrl.u32 s17, $0x1;
	s16 =	sadd.s32 $0x4, s16  }
0x3d: {  	s21 =	smul.u32 $0xFFFFFFF4, s17;
	s16 =	sadd.s32 @!p0 s18, s16  }
0x3e: {  	s17 =	smul.u32 $0xFFFD0000, s17;
	_ =	swait.ge @!p0 [sflag:s16], $0x4000  }
0x3f: {  	s18 =	sshra.s32 s21, $0x2;
	s21 =	sadd.s32 $0x2, s0;
	[sflag:s16] =	ssyncset.done @!p0 $0x0  }
0x40: {  	s17 =	sshra.s32 s17, $0x2;
	[sflag:s16] =	ssyncadd.s32 @!p0 $0xFFFFC000;
	p0 =	sge.u32 s21, s6  }
0x41: {  	s17 =	sadd.s32 s17, s31;
	s16 =	sadd.s32 $0x4, s18;
	s18 =	sshra.s32 @!p0 s26, $0x2  }
0x42: {  	s21 =	sadd.s32 @!p0 $0xFFFFF100, s3;
	s16 =	sadd.s32 @!p0 s18, s16;
	s18 =	simm.s32 @!p0 $0x80  }
0x43: {  	[tilespmem:s17], [sflag:s16] =	stream.indirect.gather @!p0 [hbm4b:s7+s18], $0x80, s21, s18, $0xb8;
	[tilespmem:$0x10400] =	vst v63  }
0x44: {  	v4 =	vld [tilespmem:s3+$0x0];
	_ =	sdelay $0x7  }
0x45: {  	[tilespmem:v4+s22+$0x0] =	vst.idx.add.f32.msk $0xffff, v3  }
0x46: {  	v4 =	vld [tilespmem:s3+$0x10];
	_ =	sdelay $0x7  }
0x47: {  	[tilespmem:v4+s22+$0x0] =	vst.idx.add.f32.msk $0xffff, v3  }
0x48: {  	v4 =	vld [tilespmem:s3+$0x20];
	_ =	sdelay $0x7  }
0x49: {  	[tilespmem:v4+s22+$0x0] =	vst.idx.add.f32.msk $0xffff, v3  }
0x4a: {  	v4 =	vld [tilespmem:s3+$0x30];
	_ =	sdelay $0x7  }
0x4b: {  	[tilespmem:v4+s22+$0x0] =	vst.idx.add.f32.msk $0xffff, v3  }
0x4c: {  	v4 =	vld [tilespmem:s3+$0x40];
	_ =	sdelay $0x7  }
0x4d: {  	[tilespmem:v4+s22+$0x0] =	vst.idx.add.f32.msk $0xffff, v3  }
0x4e: {  	v4 =	vld [tilespmem:s3+$0x50];
	_ =	sdelay $0x7  }
0x4f: {  	[tilespmem:v4+s22+$0x0] =	vst.idx.add.f32.msk $0xffff, v3  }
0x50: {  	v4 =	vld [tilespmem:s3+$0x60];
	_ =	sdelay $0x7  }
0x51: {  	[tilespmem:v4+s22+$0x0] =	vst.idx.add.f32.msk $0xffff, v3  }
0x52: {  	v4 =	vld [tilespmem:s3+$0x70]  }
0x53: {  	s18 =	smulhi.u32 $0xAAAAAAAB, s0;
	_ =	sdelay $0x1  }
0x54: {  	s16 =	sshrl.u32 s18, $0x1  }
0x55: {  	s21 =	smul.u32 $0xFFFFFFF4, s16;
	_ =	sdelay $0x1  }
0x56: {  	s29 =	sadd.s32 $0x1, s29;
	s30 =	sadd.s32 $0x1, s30;
	s17 =	sshra.s32 s21, $0x2  }
0x57: {  	s0 =	sadd.s32 $0x1, s0;
	s21 =	sshra.s32 s26, $0x2;
	s18 =	sadd.s32 $0x2, s17  }
0x58: {  	p0 =	sne.s32 s0, s6;
	s16 =	smul.u32 $0xFFFD0000, s16;
	s18 =	sadd.s32 s21, s18;
	[tilespmem:v4+s22+$0x0] =	vst.idx.add.f32.msk $0xffff, v3  }
.Ltmp1:
0x59: {  	s31 =	sadd.s32 $0x4000, s31;
	_ =	swait.ge [sflag:s18], $0x4000;
	(pc) =	sbr.rel @p0 .LBB2_4-.Ltmp1, $4  }
0x5a: {  	s16 =	sshra.s32 s16, $0x2;
	s17 =	sadd.s32 $0x5, s17;
	[sflag:s18] =	ssyncset.done $0x0  }
0x5b: {  	s16 =	sadd.s32 s16, s28;
	s17 =	sadd.s32 s21, s17;
	[sflag:s18] =	ssyncadd.s32 $0xFFFFC000  }
0x5c: {  	[spmem:s4] =	stream.indirect.scatter.add.f32 [tilespmem:s16], [sflag:s17], $0x80, s3, s20, $0xb8;
	[tilespmem:$0x10400] =	vst v63  }
0x5d: {  	s26 =	sadd.s32 $0x4, s26;
	s28 =	sadd.s32 $0x4000, s28;
	s3 =	sadd.s32 $0x80, s3  }
0x5e: {  	_ =	swait.ge [sflag:s11], $0x4000  }
0x5f: {  	[sflag:s11] =	ssyncset.done $0x0  }
0x60: {  	[sflag:s11] =	ssyncadd.s32 $0xFFFFC000  }
0x61: {  	s0 =	sor.u32 $0x1C08, s9;
	[bflag:$0x0] =	sbarrier.arrive $0xFFFF  }
0x62: {  	[hbm:s12], [sflag:s0] =	dma.local [spmem:s15], $0x400  }
0x63: {  	s25 =	sadd.s32 $0x1, s25;
	_ =	swait.ge [sflag:s23], $0x400  }
0x64: {  	p0 =	sne.s32 s25, s14;
	[sflag:s23] =	ssyncset.done $0x0  }
.Ltmp2:
0x65: {  	[sflag:s23] =	ssyncadd.s32 $0xFFFFFC00;
	(pc) =	sbr.rel @p0 .LBB2_1-.Ltmp2, $4  }
0x66: {  	[hbm4b:s13+s20] =	stream.strided.scatter [tilespmem:s22], [sflag:$0x8], $0x400, s24, s20, $0x38;
	[tilespmem:$0x10400] =	vst v63  }
0x67: {  	_ =	swait.ge [sflag:s23], $0x400  }
0x68: {  	[sflag:s23] =	ssyncset.done $0x0  }
0x69: {  	[sflag:s23] =	ssyncadd.s32 $0xFFFFFC00  }
0x6a: {  	_ =	sfence.sel $0x180000  }
0x6b: {  	[bflag:$0x0] =	sbarrier.arrive $0xFFFF  }
0x6c: {  	_ =	strace $0x9000004A  }
0x6d: {  	s0 =	stileid.u32;
	[bflag:$0x2] =	sbarrier.arrive $0xFFFF  }
0x6e: {  	p0 =	sne.s32 s0, $0x0;
	s0 =	rddreg [dreg:$0x5]  }
0x6f: {  	s0 =	sadd.s32 @!p0 $0x100000, s0  }
0x70: {  	[sflag:s0] =	ssyncadd.tile.s32 @!p0 $0x1;
	_ =	shalt  }
.Lfunc_end2:
_tile_overlayer_lowered:
.L_overlay_start_2:
0x71: {  	(tag) =	ssettag $0x2  }
0x72: {  	s0 =	rddreg [dreg:$0x0];
	s2 =	stileid.u32  }
0x73: {  	s1 =	rddreg [dreg:$0x1];
	p0 =	sne.s32 s2, $0x0  }
0x74: {  	s3 =	rddreg [dreg:$0x2];
	[bflag:$0x3] =	sbarrier.arrive $0xFFFF;
	s2 =	simm.s32 @!p0 $0x1C08  }
0x75: {  	[timem:s3], [sflag:s2] =	dma.local @!p0 [hbm:s0], s1  }
0x76: {  	s0 =	simm.s32 @!p0 $0x8  }
0x77: {  	_ =	swait.ge @!p0 [sflag:s0], s1  }
0x78: {  	s1 =	ssub.s32 @!p0 $0x0, s1;
	[sflag:s0] =	ssyncset.done @!p0 $0x0  }
0x79: {  	[sflag:s0] =	ssyncadd.s32 @!p0 s1  }
0x7a: {  	[bflag:$0x3] =	sbarrier.arrive $0xFFFF  }
0x7b: {  	_ =	shalt  }

</sc_bundles>
